<compile_context>
chip_gen: v7x
topology: tpu7x:2x2x1
jax: 0.10.2.dev20260603
libtpu: 0.0.44.dev20260713+nightly
codegen_flags: <defaults>
</compile_context>

<pallas_src>
import functools

import jax
import jax.numpy as jnp
from jax import lax
from jax.experimental import pallas as pl
from jax.experimental.pallas import tpu as pltpu
from jax.experimental.pallas import tpu_sc as plsc

N = 1048576
LANES = 16
NW = 32

SHIFT = 150000
A_BASE = 250000
A_VECS = 25000
B_BASE = 650000
B_VECS = 9375
C_BASE = 0
C_VECS = 15625
D_BASE = 800000
D_VECS = 15536

L_RAMP = 400000
M_LIN = 150000

A_STRIDE = 782
A_HALF = 391
B_STRIDE = 293
C_STRIDE = 489
D_STRIDE = 486

_INV_L = 1.0 / (L_RAMP - 1)
_INV_M = 1.0 / (M_LIN - 1)


def _worker_off(wid, stride, total_vecs, base):
    v0 = jnp.minimum(wid * stride, total_vecs - stride)
    return pl.multiple_of(base + v0 * LANES, LANES)


_GATHER_DN = lax.GatherDimensionNumbers(
    offset_dims=(), collapsed_slice_dims=(0,), start_index_map=(0,)
)


def _splat(vec, lane):
    idx = jnp.full((LANES, 1), lane, jnp.int32)
    return lax.gather(
        vec, idx, _GATHER_DN, (1,),
        mode=lax.GatherScatterMode.PROMISE_IN_BOUNDS,
    )


def _body(sig, out, buf_a, buf_b, buf_c, buf_d, buf_g,
          sem_a, sem_a2, sem_b, sem_c, sem_d, sem_g):
    wid = lax.axis_index("s") * 2 + lax.axis_index("c")
    fiota = lax.iota(jnp.int32, LANES).astype(jnp.float32)

    loads = [
        pltpu.async_copy(
            sig.at[pl.ds(pos, LANES)], buf_g.at[pl.ds(r * LANES, LANES)], sem_g
        )
        for r, pos in enumerate((250000, 400000, 649984, 799984))
    ]

    c_off = _worker_off(wid, C_STRIDE, C_VECS, C_BASE)
    cp_c = pltpu.async_copy(sig.at[pl.ds(c_off, C_STRIDE * LANES)], buf_c, sem_c)
    a_off = _worker_off(wid, A_STRIDE, A_VECS, A_BASE)
    cp_a0 = pltpu.async_copy(
        sig.at[pl.ds(a_off + SHIFT, A_HALF * LANES)],
        buf_a.at[pl.ds(0, A_HALF * LANES)],
        sem_a,
    )
    cp_a1 = pltpu.async_copy(
        sig.at[pl.ds(a_off + SHIFT + A_HALF * LANES, A_HALF * LANES)],
        buf_a.at[pl.ds(A_HALF * LANES, A_HALF * LANES)],
        sem_a2,
    )
    d_off = _worker_off(wid, D_STRIDE, D_VECS, D_BASE)
    cp_d = pltpu.async_copy(sig.at[pl.ds(d_off, D_STRIDE * LANES)], buf_d, sem_d)

    for g in loads:
        g.wait()
    s250 = _splat(buf_g[pl.ds(0, LANES)], 0)
    s400 = _splat(buf_g[pl.ds(LANES, LANES)], 0)
    s649 = _splat(buf_g[pl.ds(2 * LANES, LANES)], 15)
    s799 = _splat(buf_g[pl.ds(3 * LANES, LANES)], 15)

    a = s400 - s250
    b = s799 - s649
    step = (b - a) * jnp.float32(_INV_L)
    step2 = b * jnp.float32(_INV_M)

    b_off = _worker_off(wid, B_STRIDE, B_VECS, B_BASE)
    lin0 = s649 + step2 * ((b_off - B_BASE).astype(jnp.float32) + fiota)
    dstep2 = step2 * jnp.float32(LANES)

    def b_body(v, r):
        buf_b[pl.ds(v * LANES, LANES)] = r
        return r + dstep2

    lax.fori_loop(0, B_STRIDE, b_body, lin0, unroll=4)
    cp_bo = pltpu.async_copy(buf_b, out.at[pl.ds(b_off, B_STRIDE * LANES)], sem_b)

    ramp0 = a + step * ((a_off - A_BASE).astype(jnp.float32) + fiota)
    dstep = step * jnp.float32(LANES)

    def a_body(v, r):
        sl = pl.ds(v * LANES, LANES)
        buf_a[sl] = buf_a[sl] - r
        return r + dstep

    cp_c.wait()
    cp_co = pltpu.async_copy(buf_c, out.at[pl.ds(c_off, C_STRIDE * LANES)], sem_c)

    cp_a0.wait()
    ramp_mid = lax.fori_loop(0, A_HALF, a_body, ramp0, unroll=4)
    cp_ao0 = pltpu.async_copy(
        buf_a.at[pl.ds(0, A_HALF * LANES)],
        out.at[pl.ds(a_off, A_HALF * LANES)],
        sem_a,
    )

    cp_a1.wait()
    lax.fori_loop(A_HALF, A_STRIDE, a_body, ramp_mid, unroll=4)
    cp_ao1 = pltpu.async_copy(
        buf_a.at[pl.ds(A_HALF * LANES, A_HALF * LANES)],
        out.at[pl.ds(a_off + A_HALF * LANES, A_HALF * LANES)],
        sem_a2,
    )

    cp_d.wait()
    cp_do = pltpu.async_copy(buf_d, out.at[pl.ds(d_off, D_STRIDE * LANES)], sem_d)

    cp_ao0.wait()
    cp_ao1.wait()
    cp_bo.wait()
    cp_co.wait()
    cp_do.wait()


_delay_part = functools.partial(
    pl.kernel,
    out_type=jax.ShapeDtypeStruct((N,), jnp.float32),
    mesh=plsc.VectorSubcoreMesh(core_axis_name="c", subcore_axis_name="s"),
    scratch_types=[
        pltpu.VMEM((A_STRIDE * LANES,), jnp.float32),
        pltpu.VMEM((B_STRIDE * LANES,), jnp.float32),
        pltpu.VMEM((C_STRIDE * LANES,), jnp.float32),
        pltpu.VMEM((D_STRIDE * LANES,), jnp.float32),
        pltpu.VMEM((4 * LANES,), jnp.float32),
        pltpu.SemaphoreType.DMA,
        pltpu.SemaphoreType.DMA,
        pltpu.SemaphoreType.DMA,
        pltpu.SemaphoreType.DMA,
        pltpu.SemaphoreType.DMA,
        pltpu.SemaphoreType.DMA,
    ],
)(_body)


@jax.jit
def kernel(signal):
    return _delay_part(signal)

# --- scband reference (transcript-rebuilt; emitter-appended) ---
"""Pipeline reference for scband-delay-part-4415226380780 (READ-ONLY COPY).

The authoritative reference and input builder live on the scoring server;
editing this copy changes nothing except your own understanding.
"""

import jax, jax.numpy as jnp
import numpy as np

# Derived from init_kwargs: data_axis = arange(N) * dt with dt = data_axis[1] = 1.0, N = 1048576
# window_center_idx = int(600000.0 / 1.0) = 600000
# delay_idx        = int(150000.0 / 1.0) = 150000
# window_size_idx  = int(200000.0 / 1.0) = 200000
N = 1048576
DELAY_IDX = 150000
WINDOW_START = 400000   # max(0, 600000 - 200000)
WINDOW_END = 800000     # min(N, 600000 + 200000)
SHIFT_START = 250000    # max(0, WINDOW_START - DELAY_IDX)
SHIFT_END = 650000      # min(SHIFT_START + (WINDOW_END - WINDOW_START), N)
REMOVE_ARTIFACTS = True


def setup_inputs(seed: int = 0) -> dict:
    key = jax.random.key(seed)
    signal = jax.random.normal(key, (N,), dtype=jnp.float32)
    return {"signal": signal}


def reference(signal):
    window_idx = jnp.arange(WINDOW_START, WINDOW_END)
    window_shifted_idx = jnp.arange(SHIFT_START, SHIFT_END)
    # res = signal.clone(); res[shifted] = signal[window]
    res = signal
    res = res.at[window_shifted_idx].set(jnp.take(signal, window_idx, axis=0))
    if REMOVE_ARTIFACTS:
        L = SHIFT_END - SHIFT_START
        a = res[SHIFT_START] - signal[SHIFT_START]
        b = res[SHIFT_END - 1] - signal[SHIFT_END - 1]
        ramp = jnp.linspace(a, b, L)
        res = res.at[window_shifted_idx].add(-ramp)
    # union([SHIFT_START,SHIFT_END) , [WINDOW_START,WINDOW_END)) minus shifted window
    # (delay_idx > 0 branch): non_intersection = [SHIFT_END, WINDOW_END)
    non_intersection = jnp.arange(SHIFT_END, WINDOW_END)
    M = WINDOW_END - SHIFT_END
    start_val = res[SHIFT_END - 1]          # res[non_intersection[0] - 1]
    end_val = signal[WINDOW_END - 1]        # signal[non_intersection[-1]]
    res = res.at[non_intersection].set(jnp.linspace(start_val, end_val, M))
    return res

if __name__ == "__main__":
    import jax
    _d = setup_inputs()
    print(jax.jit(kernel)(*tuple(_d.values())))

</pallas_src>

<mosaic_0001>
#map = affine_map<(d0, d1) -> (0)>
module attributes {stable_mosaic.version = 14 : i64} {
  func.func @_body(%arg0: i32, %arg1: i32, %arg2: memref<1048576xf32, #tpu.memory_space<hbm>>, %arg3: memref<1048576xf32, #tpu.memory_space<hbm>>, %arg4: memref<12512xf32, #tpu.memory_space<vmem>>, %arg5: memref<4688xf32, #tpu.memory_space<vmem>>, %arg6: memref<7824xf32, #tpu.memory_space<vmem>>, %arg7: memref<7776xf32, #tpu.memory_space<vmem>>, %arg8: memref<64xf32, #tpu.memory_space<vmem>>, %arg9: memref<!tpu.dma_semaphore, #tpu.memory_space<semaphore_mem>>, %arg10: memref<!tpu.dma_semaphore, #tpu.memory_space<semaphore_mem>>, %arg11: memref<!tpu.dma_semaphore, #tpu.memory_space<semaphore_mem>>, %arg12: memref<!tpu.dma_semaphore, #tpu.memory_space<semaphore_mem>>, %arg13: memref<!tpu.dma_semaphore, #tpu.memory_space<semaphore_mem>>, %arg14: memref<!tpu.dma_semaphore, #tpu.memory_space<semaphore_mem>>) attributes {dimension_semantics = [#tpu.dimension_semantics<core_parallel>, #tpu.dimension_semantics<subcore_parallel>], iteration_bounds = array<i64: 2, 16>, scalar_prefetch = 0 : i64, scratch_operands = 11 : i64, tpu.core_type = #tpu.core_type<sc_vector_subcore>, window_params = [{transform_indices = #map}, {transform_indices = #map}]} {
    %mul3A = arith.constant 2 : i32
    %mul3A_0 = arith.muli %arg1, %mul3A : i32
    %add3A = arith.addi %mul3A_0, %arg0 : i32
    %iota3A = tpu.iota {dimensions = array<i32: 0>} : vector<16xi32>
    %convert_element_type3A = arith.sitofp %iota3A : vector<16xi32> to vector<16xf32>
    %dma_start3A = arith.constant 0 : i32
    %dma_start3A_1 = tpu.memref_slice %arg8[%dma_start3A] : memref<64xf32, #tpu.memory_space<vmem>> -> memref<16xf32, #tpu.memory_space<vmem>>
    %dma_start3A_2 = arith.constant 250000 : i32
    %dma_start3A_3 = tpu.memref_slice %arg2[%dma_start3A_2] : memref<1048576xf32, #tpu.memory_space<hbm>> -> memref<16xf32, #tpu.memory_space<hbm>>
    %dma_start3A_4 = arith.constant 0 : i32
    %dma_start3A_5 = tpu.memref_slice %arg8[%dma_start3A_4] : memref<64xf32, #tpu.memory_space<vmem>> -> memref<16xf32, #tpu.memory_space<vmem>>
    %dma_start3A_6 = arith.constant 250000 : i32
    %dma_start3A_7 = tpu.memref_slice %arg2[%dma_start3A_6] : memref<1048576xf32, #tpu.memory_space<hbm>> -> memref<16xf32, #tpu.memory_space<hbm>>
    tpu.enqueue_dma source(%dma_start3A_7 : memref<16xf32, #tpu.memory_space<hbm>>) target(%dma_start3A_5 : memref<16xf32, #tpu.memory_space<vmem>>) target_semaphore(%arg14 : memref<!tpu.dma_semaphore, #tpu.memory_space<semaphore_mem>>)
    %dma_start3A_8 = arith.constant 16 : i32
    %dma_start3A_9 = tpu.memref_slice %arg8[%dma_start3A_8] : memref<64xf32, #tpu.memory_space<vmem>> -> memref<16xf32, #tpu.memory_space<vmem>>
    %dma_start3A_10 = arith.constant 400000 : i32
    %dma_start3A_11 = tpu.memref_slice %arg2[%dma_start3A_10] : memref<1048576xf32, #tpu.memory_space<hbm>> -> memref<16xf32, #tpu.memory_space<hbm>>
    %dma_start3A_12 = arith.constant 16 : i32
    %dma_start3A_13 = tpu.memref_slice %arg8[%dma_start3A_12] : memref<64xf32, #tpu.memory_space<vmem>> -> memref<16xf32, #tpu.memory_space<vmem>>
    %dma_start3A_14 = arith.constant 400000 : i32
    %dma_start3A_15 = tpu.memref_slice %arg2[%dma_start3A_14] : memref<1048576xf32, #tpu.memory_space<hbm>> -> memref<16xf32, #tpu.memory_space<hbm>>
    tpu.enqueue_dma source(%dma_start3A_15 : memref<16xf32, #tpu.memory_space<hbm>>) target(%dma_start3A_13 : memref<16xf32, #tpu.memory_space<vmem>>) target_semaphore(%arg14 : memref<!tpu.dma_semaphore, #tpu.memory_space<semaphore_mem>>)
    %dma_start3A_16 = arith.constant 32 : i32
    %dma_start3A_17 = tpu.memref_slice %arg8[%dma_start3A_16] : memref<64xf32, #tpu.memory_space<vmem>> -> memref<16xf32, #tpu.memory_space<vmem>>
    %dma_start3A_18 = arith.constant 649984 : i32
    %dma_start3A_19 = tpu.memref_slice %arg2[%dma_start3A_18] : memref<1048576xf32, #tpu.memory_space<hbm>> -> memref<16xf32, #tpu.memory_space<hbm>>
    %dma_start3A_20 = arith.constant 32 : i32
    %dma_start3A_21 = tpu.memref_slice %arg8[%dma_start3A_20] : memref<64xf32, #tpu.memory_space<vmem>> -> memref<16xf32, #tpu.memory_space<vmem>>
    %dma_start3A_22 = arith.constant 649984 : i32
    %dma_start3A_23 = tpu.memref_slice %arg2[%dma_start3A_22] : memref<1048576xf32, #tpu.memory_space<hbm>> -> memref<16xf32, #tpu.memory_space<hbm>>
    tpu.enqueue_dma source(%dma_start3A_23 : memref<16xf32, #tpu.memory_space<hbm>>) target(%dma_start3A_21 : memref<16xf32, #tpu.memory_space<vmem>>) target_semaphore(%arg14 : memref<!tpu.dma_semaphore, #tpu.memory_space<semaphore_mem>>)
    %dma_start3A_24 = arith.constant 48 : i32
    %dma_start3A_25 = tpu.memref_slice %arg8[%dma_start3A_24] : memref<64xf32, #tpu.memory_space<vmem>> -> memref<16xf32, #tpu.memory_space<vmem>>
    %dma_start3A_26 = arith.constant 799984 : i32
    %dma_start3A_27 = tpu.memref_slice %arg2[%dma_start3A_26] : memref<1048576xf32, #tpu.memory_space<hbm>> -> memref<16xf32, #tpu.memory_space<hbm>>
    %dma_start3A_28 = arith.constant 48 : i32
    %dma_start3A_29 = tpu.memref_slice %arg8[%dma_start3A_28] : memref<64xf32, #tpu.memory_space<vmem>> -> memref<16xf32, #tpu.memory_space<vmem>>
    %dma_start3A_30 = arith.constant 799984 : i32
    %dma_start3A_31 = tpu.memref_slice %arg2[%dma_start3A_30] : memref<1048576xf32, #tpu.memory_space<hbm>> -> memref<16xf32, #tpu.memory_space<hbm>>
    tpu.enqueue_dma source(%dma_start3A_31 : memref<16xf32, #tpu.memory_space<hbm>>) target(%dma_start3A_29 : memref<16xf32, #tpu.memory_space<vmem>>) target_semaphore(%arg14 : memref<!tpu.dma_semaphore, #tpu.memory_space<semaphore_mem>>)
    %mul3A_32 = arith.constant 489 : i32
    %mul3A_33 = arith.muli %add3A, %mul3A_32 : i32
    %min3A = arith.constant 15136 : i32
    %min3A_34 = arith.minsi %mul3A_33, %min3A : i32
    %mul3A_35 = arith.constant 16 : i32
    %mul3A_36 = arith.muli %min3A_34, %mul3A_35 : i32
    %add3A_37 = arith.constant 0 : i32
    %add3A_38 = arith.addi %add3A_37, %mul3A_36 : i32
    %multiple_of3A = tpu.assume_multiple %add3A_38, 16 : i32
    %dma_start3A_39 = tpu.memref_slice %arg2[%multiple_of3A] : memref<1048576xf32, #tpu.memory_space<hbm>> -> memref<7824xf32, #tpu.memory_space<hbm>>
    %dma_start3A_40 = tpu.memref_slice %arg2[%multiple_of3A] : memref<1048576xf32, #tpu.memory_space<hbm>> -> memref<7824xf32, #tpu.memory_space<hbm>>
    tpu.enqueue_dma source(%dma_start3A_40 : memref<7824xf32, #tpu.memory_space<hbm>>) target(%arg6 : memref<7824xf32, #tpu.memory_space<vmem>>) target_semaphore(%arg12 : memref<!tpu.dma_semaphore, #tpu.memory_space<semaphore_mem>>)
    %mul3A_41 = arith.constant 782 : i32
    %mul3A_42 = arith.muli %add3A, %mul3A_41 : i32
    %min3A_43 = arith.constant 24218 : i32
    %min3A_44 = arith.minsi %mul3A_42, %min3A_43 : i32
    %mul3A_45 = arith.constant 16 : i32
    %mul3A_46 = arith.muli %min3A_44, %mul3A_45 : i32
    %add3A_47 = arith.constant 250000 : i32
    %add3A_48 = arith.addi %add3A_47, %mul3A_46 : i32
    %multiple_of3A_49 = tpu.assume_multiple %add3A_48, 16 : i32
    %add3A_50 = arith.constant 150000 : i32
    %add3A_51 = arith.addi %multiple_of3A_49, %add3A_50 : i32
    %dma_start3A_52 = arith.constant 0 : i32
    %dma_start3A_53 = tpu.memref_slice %arg4[%dma_start3A_52] : memref<12512xf32, #tpu.memory_space<vmem>> -> memref<6256xf32, #tpu.memory_space<vmem>>
    %dma_start3A_54 = tpu.memref_slice %arg2[%add3A_51] : memref<1048576xf32, #tpu.memory_space<hbm>> -> memref<6256xf32, #tpu.memory_space<hbm>>
    %dma_start3A_55 = arith.constant 0 : i32
    %dma_start3A_56 = tpu.memref_slice %arg4[%dma_start3A_55] : memref<12512xf32, #tpu.memory_space<vmem>> -> memref<6256xf32, #tpu.memory_space<vmem>>
    %dma_start3A_57 = tpu.memref_slice %arg2[%add3A_51] : memref<1048576xf32, #tpu.memory_space<hbm>> -> memref<6256xf32, #tpu.memory_space<hbm>>
    tpu.enqueue_dma source(%dma_start3A_57 : memref<6256xf32, #tpu.memory_space<hbm>>) target(%dma_start3A_56 : memref<6256xf32, #tpu.memory_space<vmem>>) target_semaphore(%arg9 : memref<!tpu.dma_semaphore, #tpu.memory_space<semaphore_mem>>)
    %add3A_58 = arith.constant 150000 : i32
    %add3A_59 = arith.addi %multiple_of3A_49, %add3A_58 : i32
    %add3A_60 = arith.constant 6256 : i32
    %add3A_61 = arith.addi %add3A_59, %add3A_60 : i32
    %dma_start3A_62 = arith.constant 6256 : i32
    %dma_start3A_63 = tpu.memref_slice %arg4[%dma_start3A_62] : memref<12512xf32, #tpu.memory_space<vmem>> -> memref<6256xf32, #tpu.memory_space<vmem>>
    %dma_start3A_64 = tpu.memref_slice %arg2[%add3A_61] : memref<1048576xf32, #tpu.memory_space<hbm>> -> memref<6256xf32, #tpu.memory_space<hbm>>
    %dma_start3A_65 = arith.constant 6256 : i32
    %dma_start3A_66 = tpu.memref_slice %arg4[%dma_start3A_65] : memref<12512xf32, #tpu.memory_space<vmem>> -> memref<6256xf32, #tpu.memory_space<vmem>>
    %dma_start3A_67 = tpu.memref_slice %arg2[%add3A_61] : memref<1048576xf32, #tpu.memory_space<hbm>> -> memref<6256xf32, #tpu.memory_space<hbm>>
    tpu.enqueue_dma source(%dma_start3A_67 : memref<6256xf32, #tpu.memory_space<hbm>>) target(%dma_start3A_66 : memref<6256xf32, #tpu.memory_space<vmem>>) target_semaphore(%arg10 : memref<!tpu.dma_semaphore, #tpu.memory_space<semaphore_mem>>)
    %mul3A_68 = arith.constant 486 : i32
    %mul3A_69 = arith.muli %add3A, %mul3A_68 : i32
    %min3A_70 = arith.constant 15050 : i32
    %min3A_71 = arith.minsi %mul3A_69, %min3A_70 : i32
    %mul3A_72 = arith.constant 16 : i32
    %mul3A_73 = arith.muli %min3A_71, %mul3A_72 : i32
    %add3A_74 = arith.constant 800000 : i32
    %add3A_75 = arith.addi %add3A_74, %mul3A_73 : i32
    %multiple_of3A_76 = tpu.assume_multiple %add3A_75, 16 : i32
    %dma_start3A_77 = tpu.memref_slice %arg2[%multiple_of3A_76] : memref<1048576xf32, #tpu.memory_space<hbm>> -> memref<7776xf32, #tpu.memory_space<hbm>>
    %dma_start3A_78 = tpu.memref_slice %arg2[%multiple_of3A_76] : memref<1048576xf32, #tpu.memory_space<hbm>> -> memref<7776xf32, #tpu.memory_space<hbm>>
    tpu.enqueue_dma source(%dma_start3A_78 : memref<7776xf32, #tpu.memory_space<hbm>>) target(%arg7 : memref<7776xf32, #tpu.memory_space<vmem>>) target_semaphore(%arg13 : memref<!tpu.dma_semaphore, #tpu.memory_space<semaphore_mem>>)
    %dma_wait3A = arith.constant 0 : i32
    %dma_wait3A_79 = tpu.memref_slice %arg8[%dma_wait3A] : memref<64xf32, #tpu.memory_space<vmem>> -> memref<16xf32, #tpu.memory_space<vmem>>
    %dma_wait3A_80 = arith.constant 250000 : i32
    %dma_wait3A_81 = tpu.memref_slice %arg2[%dma_wait3A_80] : memref<1048576xf32, #tpu.memory_space<hbm>> -> memref<16xf32, #tpu.memory_space<hbm>>
    %dma_wait3A_82 = arith.constant 0 : i32
    %dma_wait3A_83 = tpu.memref_slice %arg8[%dma_wait3A_82] : memref<64xf32, #tpu.memory_space<vmem>> -> memref<16xf32, #tpu.memory_space<vmem>>
    %dma_wait3A_84 = arith.constant 250000 : i32
    %dma_wait3A_85 = tpu.memref_slice %arg2[%dma_wait3A_84] : memref<1048576xf32, #tpu.memory_space<hbm>> -> memref<16xf32, #tpu.memory_space<hbm>>
    tpu.wait_dma2 semaphore(%arg14 : memref<!tpu.dma_semaphore, #tpu.memory_space<semaphore_mem>>) src(%dma_wait3A_85 : memref<16xf32, #tpu.memory_space<hbm>>) dst(%dma_wait3A_83 : memref<16xf32, #tpu.memory_space<vmem>>)
    %dma_wait3A_86 = arith.constant 16 : i32
    %dma_wait3A_87 = tpu.memref_slice %arg8[%dma_wait3A_86] : memref<64xf32, #tpu.memory_space<vmem>> -> memref<16xf32, #tpu.memory_space<vmem>>
    %dma_wait3A_88 = arith.constant 400000 : i32
    %dma_wait3A_89 = tpu.memref_slice %arg2[%dma_wait3A_88] : memref<1048576xf32, #tpu.memory_space<hbm>> -> memref<16xf32, #tpu.memory_space<hbm>>
    %dma_wait3A_90 = arith.constant 16 : i32
    %dma_wait3A_91 = tpu.memref_slice %arg8[%dma_wait3A_90] : memref<64xf32, #tpu.memory_space<vmem>> -> memref<16xf32, #tpu.memory_space<vmem>>
    %dma_wait3A_92 = arith.constant 400000 : i32
    %dma_wait3A_93 = tpu.memref_slice %arg2[%dma_wait3A_92] : memref<1048576xf32, #tpu.memory_space<hbm>> -> memref<16xf32, #tpu.memory_space<hbm>>
    tpu.wait_dma2 semaphore(%arg14 : memref<!tpu.dma_semaphore, #tpu.memory_space<semaphore_mem>>) src(%dma_wait3A_93 : memref<16xf32, #tpu.memory_space<hbm>>) dst(%dma_wait3A_91 : memref<16xf32, #tpu.memory_space<vmem>>)
    %dma_wait3A_94 = arith.constant 32 : i32
    %dma_wait3A_95 = tpu.memref_slice %arg8[%dma_wait3A_94] : memref<64xf32, #tpu.memory_space<vmem>> -> memref<16xf32, #tpu.memory_space<vmem>>
    %dma_wait3A_96 = arith.constant 649984 : i32
    %dma_wait3A_97 = tpu.memref_slice %arg2[%dma_wait3A_96] : memref<1048576xf32, #tpu.memory_space<hbm>> -> memref<16xf32, #tpu.memory_space<hbm>>
    %dma_wait3A_98 = arith.constant 32 : i32
    %dma_wait3A_99 = tpu.memref_slice %arg8[%dma_wait3A_98] : memref<64xf32, #tpu.memory_space<vmem>> -> memref<16xf32, #tpu.memory_space<vmem>>
    %dma_wait3A_100 = arith.constant 649984 : i32
    %dma_wait3A_101 = tpu.memref_slice %arg2[%dma_wait3A_100] : memref<1048576xf32, #tpu.memory_space<hbm>> -> memref<16xf32, #tpu.memory_space<hbm>>
    tpu.wait_dma2 semaphore(%arg14 : memref<!tpu.dma_semaphore, #tpu.memory_space<semaphore_mem>>) src(%dma_wait3A_101 : memref<16xf32, #tpu.memory_space<hbm>>) dst(%dma_wait3A_99 : memref<16xf32, #tpu.memory_space<vmem>>)
    %dma_wait3A_102 = arith.constant 48 : i32
    %dma_wait3A_103 = tpu.memref_slice %arg8[%dma_wait3A_102] : memref<64xf32, #tpu.memory_space<vmem>> -> memref<16xf32, #tpu.memory_space<vmem>>
    %dma_wait3A_104 = arith.constant 799984 : i32
    %dma_wait3A_105 = tpu.memref_slice %arg2[%dma_wait3A_104] : memref<1048576xf32, #tpu.memory_space<hbm>> -> memref<16xf32, #tpu.memory_space<hbm>>
    %dma_wait3A_106 = arith.constant 48 : i32
    %dma_wait3A_107 = tpu.memref_slice %arg8[%dma_wait3A_106] : memref<64xf32, #tpu.memory_space<vmem>> -> memref<16xf32, #tpu.memory_space<vmem>>
    %dma_wait3A_108 = arith.constant 799984 : i32
    %dma_wait3A_109 = tpu.memref_slice %arg2[%dma_wait3A_108] : memref<1048576xf32, #tpu.memory_space<hbm>> -> memref<16xf32, #tpu.memory_space<hbm>>
    tpu.wait_dma2 semaphore(%arg14 : memref<!tpu.dma_semaphore, #tpu.memory_space<semaphore_mem>>) src(%dma_wait3A_109 : memref<16xf32, #tpu.memory_space<hbm>>) dst(%dma_wait3A_107 : memref<16xf32, #tpu.memory_space<vmem>>)
    %get3A = arith.constant 0 : index
    %get3A_110 = tpu.vector_load %arg8[%get3A] {strides = array<i32>} : memref<64xf32, #tpu.memory_space<vmem>>, vector<16xf32>,
    %get3A_111 = vector.shape_cast %get3A_110 : vector<16xf32> to vector<16xf32>
    %broadcast_in_dim3A = arith.constant 0 : i32
    %broadcast_in_dim3A_112 = vector.broadcast %broadcast_in_dim3A : i32 to vector<16x1xi32>
    %gather3A = vector.shape_cast %broadcast_in_dim3A_112 : vector<16x1xi32> to vector<16xi32>
    %gather3A_113 = tpu.dynamic_gather %get3A_111[%gather3A] in [0] : vector<16xf32>, vector<16xi32> -> vector<16xf32>
    %get3A_114 = arith.constant 16 : index
    %get3A_115 = tpu.vector_load %arg8[%get3A_114] {strides = array<i32>} : memref<64xf32, #tpu.memory_space<vmem>>, vector<16xf32>,
    %get3A_116 = vector.shape_cast %get3A_115 : vector<16xf32> to vector<16xf32>
    %broadcast_in_dim3A_117 = arith.constant 0 : i32
    %broadcast_in_dim3A_118 = vector.broadcast %broadcast_in_dim3A_117 : i32 to vector<16x1xi32>
    %gather3A_119 = vector.shape_cast %broadcast_in_dim3A_118 : vector<16x1xi32> to vector<16xi32>
    %gather3A_120 = tpu.dynamic_gather %get3A_116[%gather3A_119] in [0] : vector<16xf32>, vector<16xi32> -> vector<16xf32>
    %get3A_121 = arith.constant 32 : index
    %get3A_122 = tpu.vector_load %arg8[%get3A_121] {strides = array<i32>} : memref<64xf32, #tpu.memory_space<vmem>>, vector<16xf32>,
    %get3A_123 = vector.shape_cast %get3A_122 : vector<16xf32> to vector<16xf32>
    %broadcast_in_dim3A_124 = arith.constant 15 : i32
    %broadcast_in_dim3A_125 = vector.broadcast %broadcast_in_dim3A_124 : i32 to vector<16x1xi32>
    %gather3A_126 = vector.shape_cast %broadcast_in_dim3A_125 : vector<16x1xi32> to vector<16xi32>
    %gather3A_127 = tpu.dynamic_gather %get3A_123[%gather3A_126] in [0] : vector<16xf32>, vector<16xi32> -> vector<16xf32>
    %get3A_128 = arith.constant 48 : index
    %get3A_129 = tpu.vector_load %arg8[%get3A_128] {strides = array<i32>} : memref<64xf32, #tpu.memory_space<vmem>>, vector<16xf32>,
    %get3A_130 = vector.shape_cast %get3A_129 : vector<16xf32> to vector<16xf32>
    %broadcast_in_dim3A_131 = arith.constant 15 : i32
    %broadcast_in_dim3A_132 = vector.broadcast %broadcast_in_dim3A_131 : i32 to vector<16x1xi32>
    %gather3A_133 = vector.shape_cast %broadcast_in_dim3A_132 : vector<16x1xi32> to vector<16xi32>
    %gather3A_134 = tpu.dynamic_gather %get3A_130[%gather3A_133] in [0] : vector<16xf32>, vector<16xi32> -> vector<16xf32>
    %sub3A = arith.subf %gather3A_120, %gather3A_113 : vector<16xf32>
    %sub3A_135 = arith.subf %gather3A_134, %gather3A_127 : vector<16xf32>
    %sub3A_136 = arith.subf %sub3A_135, %sub3A : vector<16xf32>
    %mul3A_137 = arith.constant 2.5000063E-6 : f32
    %mul3A_138 = vector.broadcast %mul3A_137 : f32 to vector<16xf32>
    %mul3A_139 = arith.mulf %sub3A_136, %mul3A_138 : vector<16xf32>
    %mul3A_140 = arith.constant 6.66671121E-6 : f32
    %mul3A_141 = vector.broadcast %mul3A_140 : f32 to vector<16xf32>
    %mul3A_142 = arith.mulf %sub3A_135, %mul3A_141 : vector<16xf32>
    %mul3A_143 = arith.constant 293 : i32
    %mul3A_144 = arith.muli %add3A, %mul3A_143 : i32
    %min3A_145 = arith.constant 9082 : i32
    %min3A_146 = arith.minsi %mul3A_144, %min3A_145 : i32
    %mul3A_147 = arith.constant 16 : i32
    %mul3A_148 = arith.muli %min3A_146, %mul3A_147 : i32
    %add3A_149 = arith.constant 650000 : i32
    %add3A_150 = arith.addi %add3A_149, %mul3A_148 : i32
    %multiple_of3A_151 = tpu.assume_multiple %add3A_150, 16 : i32
    %sub3A_152 = arith.constant 650000 : i32
    %sub3A_153 = arith.subi %multiple_of3A_151, %sub3A_152 : i32
    %convert_element_type3A_154 = arith.sitofp %sub3A_153 : i32 to f32
    %add3A_155 = vector.broadcast %convert_element_type3A_154 : f32 to vector<16xf32>
    %add3A_156 = arith.addf %add3A_155, %convert_element_type3A : vector<16xf32>
    %mul3A_157 = arith.mulf %mul3A_142, %add3A_156 : vector<16xf32>
    %add3A_158 = arith.addf %gather3A_127, %mul3A_157 : vector<16xf32>
    %mul3A_159 = arith.constant 1.600000e+01 : f32
    %mul3A_160 = vector.broadcast %mul3A_159 : f32 to vector<16xf32>
    %mul3A_161 = arith.mulf %mul3A_142, %mul3A_160 : vector<16xf32>
    %scan3A = arith.constant 0 : i32
    %scan3A_162 = arith.constant 292 : i32
    %scan3A_163 = arith.addi %scan3A, %scan3A_162 : i32
    %scan3A_164 = arith.constant 4 : i32
    %scan3A_165 = scf.for %scan3A_329 = %scan3A to %scan3A_163 step %scan3A_164 iter_args(%scan3A_330 = %add3A_158) -> (vector<16xf32>)  : i32 {
      %mul3A_331 = arith.constant 16 : i32
      %mul3A_332 = arith.muli %scan3A_329, %mul3A_331 : i32
      %swap3A_333 = arith.index_cast %mul3A_332 : i32 to index
      %swap3A_334 = tpu.vector_load %arg5[%swap3A_333] {strides = array<i32>} : memref<4688xf32, #tpu.memory_space<vmem>>, vector<16xf32>,
      %swap3A_335 = vector.shape_cast %swap3A_334 : vector<16xf32> to vector<16xf32>
      %swap3A_336 = vector.shape_cast %scan3A_330 : vector<16xf32> to vector<16xf32>
      tpu.vector_store %arg5[%swap3A_333], %swap3A_336 {strides = array<i32>} : memref<4688xf32, #tpu.memory_space<vmem>>, vector<16xf32>,
      %add3A_337 = arith.addf %scan3A_330, %mul3A_161 : vector<16xf32>
      %scan3A_338 = arith.constant 1 : i32
      %scan3A_339 = arith.addi %scan3A_329, %scan3A_338 : i32
      %mul3A_340 = arith.constant 16 : i32
      %mul3A_341 = arith.muli %scan3A_339, %mul3A_340 : i32
      %swap3A_342 = arith.index_cast %mul3A_341 : i32 to index
      %swap3A_343 = tpu.vector_load %arg5[%swap3A_342] {strides = array<i32>} : memref<4688xf32, #tpu.memory_space<vmem>>, vector<16xf32>,
      %swap3A_344 = vector.shape_cast %swap3A_343 : vector<16xf32> to vector<16xf32>
      %swap3A_345 = vector.shape_cast %add3A_337 : vector<16xf32> to vector<16xf32>
      tpu.vector_store %arg5[%swap3A_342], %swap3A_345 {strides = array<i32>} : memref<4688xf32, #tpu.memory_space<vmem>>, vector<16xf32>,
      %add3A_346 = arith.addf %add3A_337, %mul3A_161 : vector<16xf32>
      %scan3A_347 = arith.constant 2 : i32
      %scan3A_348 = arith.addi %scan3A_329, %scan3A_347 : i32
      %mul3A_349 = arith.constant 16 : i32
      %mul3A_350 = arith.muli %scan3A_348, %mul3A_349 : i32
      %swap3A_351 = arith.index_cast %mul3A_350 : i32 to index
      %swap3A_352 = tpu.vector_load %arg5[%swap3A_351] {strides = array<i32>} : memref<4688xf32, #tpu.memory_space<vmem>>, vector<16xf32>,
      %swap3A_353 = vector.shape_cast %swap3A_352 : vector<16xf32> to vector<16xf32>
      %swap3A_354 = vector.shape_cast %add3A_346 : vector<16xf32> to vector<16xf32>
      tpu.vector_store %arg5[%swap3A_351], %swap3A_354 {strides = array<i32>} : memref<4688xf32, #tpu.memory_space<vmem>>, vector<16xf32>,
      %add3A_355 = arith.addf %add3A_346, %mul3A_161 : vector<16xf32>
      %scan3A_356 = arith.constant 3 : i32
      %scan3A_357 = arith.addi %scan3A_329, %scan3A_356 : i32
      %mul3A_358 = arith.constant 16 : i32
      %mul3A_359 = arith.muli %scan3A_357, %mul3A_358 : i32
      %swap3A_360 = arith.index_cast %mul3A_359 : i32 to index
      %swap3A_361 = tpu.vector_load %arg5[%swap3A_360] {strides = array<i32>} : memref<4688xf32, #tpu.memory_space<vmem>>, vector<16xf32>,
      %swap3A_362 = vector.shape_cast %swap3A_361 : vector<16xf32> to vector<16xf32>
      %swap3A_363 = vector.shape_cast %add3A_355 : vector<16xf32> to vector<16xf32>
      tpu.vector_store %arg5[%swap3A_360], %swap3A_363 {strides = array<i32>} : memref<4688xf32, #tpu.memory_space<vmem>>, vector<16xf32>,
      %add3A_364 = arith.addf %add3A_355, %mul3A_161 : vector<16xf32>
      scf.yield %add3A_364 : vector<16xf32>
    }
    %scan3A_166 = arith.constant 292 : i32
    %scan3A_167 = arith.addi %scan3A, %scan3A_166 : i32
    %mul3A_168 = arith.constant 16 : i32
    %mul3A_169 = arith.muli %scan3A_167, %mul3A_168 : i32
    %swap3A = arith.index_cast %mul3A_169 : i32 to index
    %swap3A_170 = tpu.vector_load %arg5[%swap3A] {strides = array<i32>} : memref<4688xf32, #tpu.memory_space<vmem>>, vector<16xf32>,
    %swap3A_171 = vector.shape_cast %swap3A_170 : vector<16xf32> to vector<16xf32>
    %swap3A_172 = vector.shape_cast %scan3A_165 : vector<16xf32> to vector<16xf32>
    tpu.vector_store %arg5[%swap3A], %swap3A_172 {strides = array<i32>} : memref<4688xf32, #tpu.memory_space<vmem>>, vector<16xf32>,
    %add3A_173 = arith.addf %scan3A_165, %mul3A_161 : vector<16xf32>
    %scan3A_174 = arith.constant 293 : i32
    %dma_start3A_175 = tpu.memref_slice %arg3[%multiple_of3A_151] : memref<1048576xf32, #tpu.memory_space<hbm>> -> memref<4688xf32, #tpu.memory_space<hbm>>
    %dma_start3A_176 = tpu.memref_slice %arg3[%multiple_of3A_151] : memref<1048576xf32, #tpu.memory_space<hbm>> -> memref<4688xf32, #tpu.memory_space<hbm>>
    tpu.enqueue_dma source(%arg5 : memref<4688xf32, #tpu.memory_space<vmem>>) target(%dma_start3A_176 : memref<4688xf32, #tpu.memory_space<hbm>>) target_semaphore(%arg11 : memref<!tpu.dma_semaphore, #tpu.memory_space<semaphore_mem>>)
    %sub3A_177 = arith.constant 250000 : i32
    %sub3A_178 = arith.subi %multiple_of3A_49, %sub3A_177 : i32
    %convert_element_type3A_179 = arith.sitofp %sub3A_178 : i32 to f32
    %add3A_180 = vector.broadcast %convert_element_type3A_179 : f32 to vector<16xf32>
    %add3A_181 = arith.addf %add3A_180, %convert_element_type3A : vector<16xf32>
    %mul3A_182 = arith.mulf %mul3A_139, %add3A_181 : vector<16xf32>
    %add3A_183 = arith.addf %sub3A, %mul3A_182 : vector<16xf32>
    %mul3A_184 = arith.constant 1.600000e+01 : f32
    %mul3A_185 = vector.broadcast %mul3A_184 : f32 to vector<16xf32>
    %mul3A_186 = arith.mulf %mul3A_139, %mul3A_185 : vector<16xf32>
    %dma_wait3A_187 = tpu.memref_slice %arg2[%multiple_of3A] : memref<1048576xf32, #tpu.memory_space<hbm>> -> memref<7824xf32, #tpu.memory_space<hbm>>
    %dma_wait3A_188 = tpu.memref_slice %arg2[%multiple_of3A] : memref<1048576xf32, #tpu.memory_space<hbm>> -> memref<7824xf32, #tpu.memory_space<hbm>>
    tpu.wait_dma2 semaphore(%arg12 : memref<!tpu.dma_semaphore, #tpu.memory_space<semaphore_mem>>) src(%dma_wait3A_188 : memref<7824xf32, #tpu.memory_space<hbm>>) dst(%arg6 : memref<7824xf32, #tpu.memory_space<vmem>>)
    %dma_start3A_189 = tpu.memref_slice %arg3[%multiple_of3A] : memref<1048576xf32, #tpu.memory_space<hbm>> -> memref<7824xf32, #tpu.memory_space<hbm>>
    %dma_start3A_190 = tpu.memref_slice %arg3[%multiple_of3A] : memref<1048576xf32, #tpu.memory_space<hbm>> -> memref<7824xf32, #tpu.memory_space<hbm>>
    tpu.enqueue_dma source(%arg6 : memref<7824xf32, #tpu.memory_space<vmem>>) target(%dma_start3A_190 : memref<7824xf32, #tpu.memory_space<hbm>>) target_semaphore(%arg12 : memref<!tpu.dma_semaphore, #tpu.memory_space<semaphore_mem>>)
    %dma_wait3A_191 = arith.constant 0 : i32
    %dma_wait3A_192 = tpu.memref_slice %arg4[%dma_wait3A_191] : memref<12512xf32, #tpu.memory_space<vmem>> -> memref<6256xf32, #tpu.memory_space<vmem>>
    %dma_wait3A_193 = tpu.memref_slice %arg2[%add3A_51] : memref<1048576xf32, #tpu.memory_space<hbm>> -> memref<6256xf32, #tpu.memory_space<hbm>>
    %dma_wait3A_194 = arith.constant 0 : i32
    %dma_wait3A_195 = tpu.memref_slice %arg4[%dma_wait3A_194] : memref<12512xf32, #tpu.memory_space<vmem>> -> memref<6256xf32, #tpu.memory_space<vmem>>
    %dma_wait3A_196 = tpu.memref_slice %arg2[%add3A_51] : memref<1048576xf32, #tpu.memory_space<hbm>> -> memref<6256xf32, #tpu.memory_space<hbm>>
    tpu.wait_dma2 semaphore(%arg9 : memref<!tpu.dma_semaphore, #tpu.memory_space<semaphore_mem>>) src(%dma_wait3A_196 : memref<6256xf32, #tpu.memory_space<hbm>>) dst(%dma_wait3A_195 : memref<6256xf32, #tpu.memory_space<vmem>>)
    %scan3A_197 = arith.constant 0 : i32
    %scan3A_198 = arith.constant 388 : i32
    %scan3A_199 = arith.addi %scan3A_197, %scan3A_198 : i32
    %scan3A_200 = arith.constant 4 : i32
    %scan3A_201 = scf.for %scan3A_329 = %scan3A_197 to %scan3A_199 step %scan3A_200 iter_args(%scan3A_330 = %add3A_183) -> (vector<16xf32>)  : i32 {
      %mul3A_331 = arith.constant 16 : i32
      %mul3A_332 = arith.muli %scan3A_329, %mul3A_331 : i32
      %get3A_333 = arith.index_cast %mul3A_332 : i32 to index
      %get3A_334 = tpu.vector_load %arg4[%get3A_333] {strides = array<i32>} : memref<12512xf32, #tpu.memory_space<vmem>>, vector<16xf32>,
      %get3A_335 = vector.shape_cast %get3A_334 : vector<16xf32> to vector<16xf32>
      %sub3A_336 = arith.subf %get3A_335, %scan3A_330 : vector<16xf32>
      %swap3A_337 = arith.index_cast %mul3A_332 : i32 to index
      %swap3A_338 = tpu.vector_load %arg4[%swap3A_337] {strides = array<i32>} : memref<12512xf32, #tpu.memory_space<vmem>>, vector<16xf32>,
      %swap3A_339 = vector.shape_cast %swap3A_338 : vector<16xf32> to vector<16xf32>
      %swap3A_340 = vector.shape_cast %sub3A_336 : vector<16xf32> to vector<16xf32>
      tpu.vector_store %arg4[%swap3A_337], %swap3A_340 {strides = array<i32>} : memref<12512xf32, #tpu.memory_space<vmem>>, vector<16xf32>,
      %add3A_341 = arith.addf %scan3A_330, %mul3A_186 : vector<16xf32>
      %scan3A_342 = arith.constant 1 : i32
      %scan3A_343 = arith.addi %scan3A_329, %scan3A_342 : i32
      %mul3A_344 = arith.constant 16 : i32
      %mul3A_345 = arith.muli %scan3A_343, %mul3A_344 : i32
      %get3A_346 = arith.index_cast %mul3A_345 : i32 to index
      %get3A_347 = tpu.vector_load %arg4[%get3A_346] {strides = array<i32>} : memref<12512xf32, #tpu.memory_space<vmem>>, vector<16xf32>,
      %get3A_348 = vector.shape_cast %get3A_347 : vector<16xf32> to vector<16xf32>
      %sub3A_349 = arith.subf %get3A_348, %add3A_341 : vector<16xf32>
      %swap3A_350 = arith.index_cast %mul3A_345 : i32 to index
      %swap3A_351 = tpu.vector_load %arg4[%swap3A_350] {strides = array<i32>} : memref<12512xf32, #tpu.memory_space<vmem>>, vector<16xf32>,
      %swap3A_352 = vector.shape_cast %swap3A_351 : vector<16xf32> to vector<16xf32>
      %swap3A_353 = vector.shape_cast %sub3A_349 : vector<16xf32> to vector<16xf32>
      tpu.vector_store %arg4[%swap3A_350], %swap3A_353 {strides = array<i32>} : memref<12512xf32, #tpu.memory_space<vmem>>, vector<16xf32>,
      %add3A_354 = arith.addf %add3A_341, %mul3A_186 : vector<16xf32>
      %scan3A_355 = arith.constant 2 : i32
      %scan3A_356 = arith.addi %scan3A_329, %scan3A_355 : i32
      %mul3A_357 = arith.constant 16 : i32
      %mul3A_358 = arith.muli %scan3A_356, %mul3A_357 : i32
      %get3A_359 = arith.index_cast %mul3A_358 : i32 to index
      %get3A_360 = tpu.vector_load %arg4[%get3A_359] {strides = array<i32>} : memref<12512xf32, #tpu.memory_space<vmem>>, vector<16xf32>,
      %get3A_361 = vector.shape_cast %get3A_360 : vector<16xf32> to vector<16xf32>
      %sub3A_362 = arith.subf %get3A_361, %add3A_354 : vector<16xf32>
      %swap3A_363 = arith.index_cast %mul3A_358 : i32 to index
      %swap3A_364 = tpu.vector_load %arg4[%swap3A_363] {strides = array<i32>} : memref<12512xf32, #tpu.memory_space<vmem>>, vector<16xf32>,
      %swap3A_365 = vector.shape_cast %swap3A_364 : vector<16xf32> to vector<16xf32>
      %swap3A_366 = vector.shape_cast %sub3A_362 : vector<16xf32> to vector<16xf32>
      tpu.vector_store %arg4[%swap3A_363], %swap3A_366 {strides = array<i32>} : memref<12512xf32, #tpu.memory_space<vmem>>, vector<16xf32>,
      %add3A_367 = arith.addf %add3A_354, %mul3A_186 : vector<16xf32>
      %scan3A_368 = arith.constant 3 : i32
      %scan3A_369 = arith.addi %scan3A_329, %scan3A_368 : i32
      %mul3A_370 = arith.constant 16 : i32
      %mul3A_371 = arith.muli %scan3A_369, %mul3A_370 : i32
      %get3A_372 = arith.index_cast %mul3A_371 : i32 to index
      %get3A_373 = tpu.vector_load %arg4[%get3A_372] {strides = array<i32>} : memref<12512xf32, #tpu.memory_space<vmem>>, vector<16xf32>,
      %get3A_374 = vector.shape_cast %get3A_373 : vector<16xf32> to vector<16xf32>
      %sub3A_375 = arith.subf %get3A_374, %add3A_367 : vector<16xf32>
      %swap3A_376 = arith.index_cast %mul3A_371 : i32 to index
      %swap3A_377 = tpu.vector_load %arg4[%swap3A_376] {strides = array<i32>} : memref<12512xf32, #tpu.memory_space<vmem>>, vector<16xf32>,
      %swap3A_378 = vector.shape_cast %swap3A_377 : vector<16xf32> to vector<16xf32>
      %swap3A_379 = vector.shape_cast %sub3A_375 : vector<16xf32> to vector<16xf32>
      tpu.vector_store %arg4[%swap3A_376], %swap3A_379 {strides = array<i32>} : memref<12512xf32, #tpu.memory_space<vmem>>, vector<16xf32>,
      %add3A_380 = arith.addf %add3A_367, %mul3A_186 : vector<16xf32>
      scf.yield %add3A_380 : vector<16xf32>
    }
    %scan3A_202 = arith.constant 388 : i32
    %scan3A_203 = arith.addi %scan3A_197, %scan3A_202 : i32
    %mul3A_204 = arith.constant 16 : i32
    %mul3A_205 = arith.muli %scan3A_203, %mul3A_204 : i32
    %get3A_206 = arith.index_cast %mul3A_205 : i32 to index
    %get3A_207 = tpu.vector_load %arg4[%get3A_206] {strides = array<i32>} : memref<12512xf32, #tpu.memory_space<vmem>>, vector<16xf32>,
    %get3A_208 = vector.shape_cast %get3A_207 : vector<16xf32> to vector<16xf32>
    %sub3A_209 = arith.subf %get3A_208, %scan3A_201 : vector<16xf32>
    %swap3A_210 = arith.index_cast %mul3A_205 : i32 to index
    %swap3A_211 = tpu.vector_load %arg4[%swap3A_210] {strides = array<i32>} : memref<12512xf32, #tpu.memory_space<vmem>>, vector<16xf32>,
    %swap3A_212 = vector.shape_cast %swap3A_211 : vector<16xf32> to vector<16xf32>
    %swap3A_213 = vector.shape_cast %sub3A_209 : vector<16xf32> to vector<16xf32>
    tpu.vector_store %arg4[%swap3A_210], %swap3A_213 {strides = array<i32>} : memref<12512xf32, #tpu.memory_space<vmem>>, vector<16xf32>,
    %add3A_214 = arith.addf %scan3A_201, %mul3A_186 : vector<16xf32>
    %scan3A_215 = arith.constant 389 : i32
    %scan3A_216 = arith.addi %scan3A_197, %scan3A_215 : i32
    %mul3A_217 = arith.constant 16 : i32
    %mul3A_218 = arith.muli %scan3A_216, %mul3A_217 : i32
    %get3A_219 = arith.index_cast %mul3A_218 : i32 to index
    %get3A_220 = tpu.vector_load %arg4[%get3A_219] {strides = array<i32>} : memref<12512xf32, #tpu.memory_space<vmem>>, vector<16xf32>,
    %get3A_221 = vector.shape_cast %get3A_220 : vector<16xf32> to vector<16xf32>
    %sub3A_222 = arith.subf %get3A_221, %add3A_214 : vector<16xf32>
    %swap3A_223 = arith.index_cast %mul3A_218 : i32 to index
    %swap3A_224 = tpu.vector_load %arg4[%swap3A_223] {strides = array<i32>} : memref<12512xf32, #tpu.memory_space<vmem>>, vector<16xf32>,
    %swap3A_225 = vector.shape_cast %swap3A_224 : vector<16xf32> to vector<16xf32>
    %swap3A_226 = vector.shape_cast %sub3A_222 : vector<16xf32> to vector<16xf32>
    tpu.vector_store %arg4[%swap3A_223], %swap3A_226 {strides = array<i32>} : memref<12512xf32, #tpu.memory_space<vmem>>, vector<16xf32>,
    %add3A_227 = arith.addf %add3A_214, %mul3A_186 : vector<16xf32>
    %scan3A_228 = arith.constant 390 : i32
    %scan3A_229 = arith.addi %scan3A_197, %scan3A_228 : i32
    %mul3A_230 = arith.constant 16 : i32
    %mul3A_231 = arith.muli %scan3A_229, %mul3A_230 : i32
    %get3A_232 = arith.index_cast %mul3A_231 : i32 to index
    %get3A_233 = tpu.vector_load %arg4[%get3A_232] {strides = array<i32>} : memref<12512xf32, #tpu.memory_space<vmem>>, vector<16xf32>,
    %get3A_234 = vector.shape_cast %get3A_233 : vector<16xf32> to vector<16xf32>
    %sub3A_235 = arith.subf %get3A_234, %add3A_227 : vector<16xf32>
    %swap3A_236 = arith.index_cast %mul3A_231 : i32 to index
    %swap3A_237 = tpu.vector_load %arg4[%swap3A_236] {strides = array<i32>} : memref<12512xf32, #tpu.memory_space<vmem>>, vector<16xf32>,
    %swap3A_238 = vector.shape_cast %swap3A_237 : vector<16xf32> to vector<16xf32>
    %swap3A_239 = vector.shape_cast %sub3A_235 : vector<16xf32> to vector<16xf32>
    tpu.vector_store %arg4[%swap3A_236], %swap3A_239 {strides = array<i32>} : memref<12512xf32, #tpu.memory_space<vmem>>, vector<16xf32>,
    %add3A_240 = arith.addf %add3A_227, %mul3A_186 : vector<16xf32>
    %scan3A_241 = arith.constant 391 : i32
    %dma_start3A_242 = arith.constant 0 : i32
    %dma_start3A_243 = tpu.memref_slice %arg4[%dma_start3A_242] : memref<12512xf32, #tpu.memory_space<vmem>> -> memref<6256xf32, #tpu.memory_space<vmem>>
    %dma_start3A_244 = tpu.memref_slice %arg3[%multiple_of3A_49] : memref<1048576xf32, #tpu.memory_space<hbm>> -> memref<6256xf32, #tpu.memory_space<hbm>>
    %dma_start3A_245 = tpu.memref_slice %arg3[%multiple_of3A_49] : memref<1048576xf32, #tpu.memory_space<hbm>> -> memref<6256xf32, #tpu.memory_space<hbm>>
    %dma_start3A_246 = arith.constant 0 : i32
    %dma_start3A_247 = tpu.memref_slice %arg4[%dma_start3A_246] : memref<12512xf32, #tpu.memory_space<vmem>> -> memref<6256xf32, #tpu.memory_space<vmem>>
    tpu.enqueue_dma source(%dma_start3A_247 : memref<6256xf32, #tpu.memory_space<vmem>>) target(%dma_start3A_245 : memref<6256xf32, #tpu.memory_space<hbm>>) target_semaphore(%arg9 : memref<!tpu.dma_semaphore, #tpu.memory_space<semaphore_mem>>)
    %dma_wait3A_248 = arith.constant 6256 : i32
    %dma_wait3A_249 = tpu.memref_slice %arg4[%dma_wait3A_248] : memref<12512xf32, #tpu.memory_space<vmem>> -> memref<6256xf32, #tpu.memory_space<vmem>>
    %dma_wait3A_250 = tpu.memref_slice %arg2[%add3A_61] : memref<1048576xf32, #tpu.memory_space<hbm>> -> memref<6256xf32, #tpu.memory_space<hbm>>
    %dma_wait3A_251 = arith.constant 6256 : i32
    %dma_wait3A_252 = tpu.memref_slice %arg4[%dma_wait3A_251] : memref<12512xf32, #tpu.memory_space<vmem>> -> memref<6256xf32, #tpu.memory_space<vmem>>
    %dma_wait3A_253 = tpu.memref_slice %arg2[%add3A_61] : memref<1048576xf32, #tpu.memory_space<hbm>> -> memref<6256xf32, #tpu.memory_space<hbm>>
    tpu.wait_dma2 semaphore(%arg10 : memref<!tpu.dma_semaphore, #tpu.memory_space<semaphore_mem>>) src(%dma_wait3A_253 : memref<6256xf32, #tpu.memory_space<hbm>>) dst(%dma_wait3A_252 : memref<6256xf32, #tpu.memory_space<vmem>>)
    %scan3A_254 = arith.constant 391 : i32
    %scan3A_255 = arith.constant 388 : i32
    %scan3A_256 = arith.addi %scan3A_254, %scan3A_255 : i32
    %scan3A_257 = arith.constant 4 : i32
    %scan3A_258 = scf.for %scan3A_329 = %scan3A_254 to %scan3A_256 step %scan3A_257 iter_args(%scan3A_330 = %add3A_240) -> (vector<16xf32>)  : i32 {
      %mul3A_331 = arith.constant 16 : i32
      %mul3A_332 = arith.muli %scan3A_329, %mul3A_331 : i32
      %get3A_333 = arith.index_cast %mul3A_332 : i32 to index
      %get3A_334 = tpu.vector_load %arg4[%get3A_333] {strides = array<i32>} : memref<12512xf32, #tpu.memory_space<vmem>>, vector<16xf32>,
      %get3A_335 = vector.shape_cast %get3A_334 : vector<16xf32> to vector<16xf32>
      %sub3A_336 = arith.subf %get3A_335, %scan3A_330 : vector<16xf32>
      %swap3A_337 = arith.index_cast %mul3A_332 : i32 to index
      %swap3A_338 = tpu.vector_load %arg4[%swap3A_337] {strides = array<i32>} : memref<12512xf32, #tpu.memory_space<vmem>>, vector<16xf32>,
      %swap3A_339 = vector.shape_cast %swap3A_338 : vector<16xf32> to vector<16xf32>
      %swap3A_340 = vector.shape_cast %sub3A_336 : vector<16xf32> to vector<16xf32>
      tpu.vector_store %arg4[%swap3A_337], %swap3A_340 {strides = array<i32>} : memref<12512xf32, #tpu.memory_space<vmem>>, vector<16xf32>,
      %add3A_341 = arith.addf %scan3A_330, %mul3A_186 : vector<16xf32>
      %scan3A_342 = arith.constant 1 : i32
      %scan3A_343 = arith.addi %scan3A_329, %scan3A_342 : i32
      %mul3A_344 = arith.constant 16 : i32
      %mul3A_345 = arith.muli %scan3A_343, %mul3A_344 : i32
      %get3A_346 = arith.index_cast %mul3A_345 : i32 to index
      %get3A_347 = tpu.vector_load %arg4[%get3A_346] {strides = array<i32>} : memref<12512xf32, #tpu.memory_space<vmem>>, vector<16xf32>,
      %get3A_348 = vector.shape_cast %get3A_347 : vector<16xf32> to vector<16xf32>
      %sub3A_349 = arith.subf %get3A_348, %add3A_341 : vector<16xf32>
      %swap3A_350 = arith.index_cast %mul3A_345 : i32 to index
      %swap3A_351 = tpu.vector_load %arg4[%swap3A_350] {strides = array<i32>} : memref<12512xf32, #tpu.memory_space<vmem>>, vector<16xf32>,
      %swap3A_352 = vector.shape_cast %swap3A_351 : vector<16xf32> to vector<16xf32>
      %swap3A_353 = vector.shape_cast %sub3A_349 : vector<16xf32> to vector<16xf32>
      tpu.vector_store %arg4[%swap3A_350], %swap3A_353 {strides = array<i32>} : memref<12512xf32, #tpu.memory_space<vmem>>, vector<16xf32>,
      %add3A_354 = arith.addf %add3A_341, %mul3A_186 : vector<16xf32>
      %scan3A_355 = arith.constant 2 : i32
      %scan3A_356 = arith.addi %scan3A_329, %scan3A_355 : i32
      %mul3A_357 = arith.constant 16 : i32
      %mul3A_358 = arith.muli %scan3A_356, %mul3A_357 : i32
      %get3A_359 = arith.index_cast %mul3A_358 : i32 to index
      %get3A_360 = tpu.vector_load %arg4[%get3A_359] {strides = array<i32>} : memref<12512xf32, #tpu.memory_space<vmem>>, vector<16xf32>,
      %get3A_361 = vector.shape_cast %get3A_360 : vector<16xf32> to vector<16xf32>
      %sub3A_362 = arith.subf %get3A_361, %add3A_354 : vector<16xf32>
      %swap3A_363 = arith.index_cast %mul3A_358 : i32 to index
      %swap3A_364 = tpu.vector_load %arg4[%swap3A_363] {strides = array<i32>} : memref<12512xf32, #tpu.memory_space<vmem>>, vector<16xf32>,
      %swap3A_365 = vector.shape_cast %swap3A_364 : vector<16xf32> to vector<16xf32>
      %swap3A_366 = vector.shape_cast %sub3A_362 : vector<16xf32> to vector<16xf32>
      tpu.vector_store %arg4[%swap3A_363], %swap3A_366 {strides = array<i32>} : memref<12512xf32, #tpu.memory_space<vmem>>, vector<16xf32>,
      %add3A_367 = arith.addf %add3A_354, %mul3A_186 : vector<16xf32>
      %scan3A_368 = arith.constant 3 : i32
      %scan3A_369 = arith.addi %scan3A_329, %scan3A_368 : i32
      %mul3A_370 = arith.constant 16 : i32
      %mul3A_371 = arith.muli %scan3A_369, %mul3A_370 : i32
      %get3A_372 = arith.index_cast %mul3A_371 : i32 to index
      %get3A_373 = tpu.vector_load %arg4[%get3A_372] {strides = array<i32>} : memref<12512xf32, #tpu.memory_space<vmem>>, vector<16xf32>,
      %get3A_374 = vector.shape_cast %get3A_373 : vector<16xf32> to vector<16xf32>
      %sub3A_375 = arith.subf %get3A_374, %add3A_367 : vector<16xf32>
      %swap3A_376 = arith.index_cast %mul3A_371 : i32 to index
      %swap3A_377 = tpu.vector_load %arg4[%swap3A_376] {strides = array<i32>} : memref<12512xf32, #tpu.memory_space<vmem>>, vector<16xf32>,
      %swap3A_378 = vector.shape_cast %swap3A_377 : vector<16xf32> to vector<16xf32>
      %swap3A_379 = vector.shape_cast %sub3A_375 : vector<16xf32> to vector<16xf32>
      tpu.vector_store %arg4[%swap3A_376], %swap3A_379 {strides = array<i32>} : memref<12512xf32, #tpu.memory_space<vmem>>, vector<16xf32>,
      %add3A_380 = arith.addf %add3A_367, %mul3A_186 : vector<16xf32>
      scf.yield %add3A_380 : vector<16xf32>
    }
    %scan3A_259 = arith.constant 388 : i32
    %scan3A_260 = arith.addi %scan3A_254, %scan3A_259 : i32
    %mul3A_261 = arith.constant 16 : i32
    %mul3A_262 = arith.muli %scan3A_260, %mul3A_261 : i32
    %get3A_263 = arith.index_cast %mul3A_262 : i32 to index
    %get3A_264 = tpu.vector_load %arg4[%get3A_263] {strides = array<i32>} : memref<12512xf32, #tpu.memory_space<vmem>>, vector<16xf32>,
    %get3A_265 = vector.shape_cast %get3A_264 : vector<16xf32> to vector<16xf32>
    %sub3A_266 = arith.subf %get3A_265, %scan3A_258 : vector<16xf32>
    %swap3A_267 = arith.index_cast %mul3A_262 : i32 to index
    %swap3A_268 = tpu.vector_load %arg4[%swap3A_267] {strides = array<i32>} : memref<12512xf32, #tpu.memory_space<vmem>>, vector<16xf32>,
    %swap3A_269 = vector.shape_cast %swap3A_268 : vector<16xf32> to vector<16xf32>
    %swap3A_270 = vector.shape_cast %sub3A_266 : vector<16xf32> to vector<16xf32>
    tpu.vector_store %arg4[%swap3A_267], %swap3A_270 {strides = array<i32>} : memref<12512xf32, #tpu.memory_space<vmem>>, vector<16xf32>,
    %add3A_271 = arith.addf %scan3A_258, %mul3A_186 : vector<16xf32>
    %scan3A_272 = arith.constant 389 : i32
    %scan3A_273 = arith.addi %scan3A_254, %scan3A_272 : i32
    %mul3A_274 = arith.constant 16 : i32
    %mul3A_275 = arith.muli %scan3A_273, %mul3A_274 : i32
    %get3A_276 = arith.index_cast %mul3A_275 : i32 to index
    %get3A_277 = tpu.vector_load %arg4[%get3A_276] {strides = array<i32>} : memref<12512xf32, #tpu.memory_space<vmem>>, vector<16xf32>,
    %get3A_278 = vector.shape_cast %get3A_277 : vector<16xf32> to vector<16xf32>
    %sub3A_279 = arith.subf %get3A_278, %add3A_271 : vector<16xf32>
    %swap3A_280 = arith.index_cast %mul3A_275 : i32 to index
    %swap3A_281 = tpu.vector_load %arg4[%swap3A_280] {strides = array<i32>} : memref<12512xf32, #tpu.memory_space<vmem>>, vector<16xf32>,
    %swap3A_282 = vector.shape_cast %swap3A_281 : vector<16xf32> to vector<16xf32>
    %swap3A_283 = vector.shape_cast %sub3A_279 : vector<16xf32> to vector<16xf32>
    tpu.vector_store %arg4[%swap3A_280], %swap3A_283 {strides = array<i32>} : memref<12512xf32, #tpu.memory_space<vmem>>, vector<16xf32>,
    %add3A_284 = arith.addf %add3A_271, %mul3A_186 : vector<16xf32>
    %scan3A_285 = arith.constant 390 : i32
    %scan3A_286 = arith.addi %scan3A_254, %scan3A_285 : i32
    %mul3A_287 = arith.constant 16 : i32
    %mul3A_288 = arith.muli %scan3A_286, %mul3A_287 : i32
    %get3A_289 = arith.index_cast %mul3A_288 : i32 to index
    %get3A_290 = tpu.vector_load %arg4[%get3A_289] {strides = array<i32>} : memref<12512xf32, #tpu.memory_space<vmem>>, vector<16xf32>,
    %get3A_291 = vector.shape_cast %get3A_290 : vector<16xf32> to vector<16xf32>
    %sub3A_292 = arith.subf %get3A_291, %add3A_284 : vector<16xf32>
    %swap3A_293 = arith.index_cast %mul3A_288 : i32 to index
    %swap3A_294 = tpu.vector_load %arg4[%swap3A_293] {strides = array<i32>} : memref<12512xf32, #tpu.memory_space<vmem>>, vector<16xf32>,
    %swap3A_295 = vector.shape_cast %swap3A_294 : vector<16xf32> to vector<16xf32>
    %swap3A_296 = vector.shape_cast %sub3A_292 : vector<16xf32> to vector<16xf32>
    tpu.vector_store %arg4[%swap3A_293], %swap3A_296 {strides = array<i32>} : memref<12512xf32, #tpu.memory_space<vmem>>, vector<16xf32>,
    %add3A_297 = arith.addf %add3A_284, %mul3A_186 : vector<16xf32>
    %scan3A_298 = arith.constant 391 : i32
    %add3A_299 = arith.constant 6256 : i32
    %add3A_300 = arith.addi %multiple_of3A_49, %add3A_299 : i32
    %dma_start3A_301 = arith.constant 6256 : i32
    %dma_start3A_302 = tpu.memref_slice %arg4[%dma_start3A_301] : memref<12512xf32, #tpu.memory_space<vmem>> -> memref<6256xf32, #tpu.memory_space<vmem>>
    %dma_start3A_303 = tpu.memref_slice %arg3[%add3A_300] : memref<1048576xf32, #tpu.memory_space<hbm>> -> memref<6256xf32, #tpu.memory_space<hbm>>
    %dma_start3A_304 = tpu.memref_slice %arg3[%add3A_300] : memref<1048576xf32, #tpu.memory_space<hbm>> -> memref<6256xf32, #tpu.memory_space<hbm>>
    %dma_start3A_305 = arith.constant 6256 : i32
    %dma_start3A_306 = tpu.memref_slice %arg4[%dma_start3A_305] : memref<12512xf32, #tpu.memory_space<vmem>> -> memref<6256xf32, #tpu.memory_space<vmem>>
    tpu.enqueue_dma source(%dma_start3A_306 : memref<6256xf32, #tpu.memory_space<vmem>>) target(%dma_start3A_304 : memref<6256xf32, #tpu.memory_space<hbm>>) target_semaphore(%arg10 : memref<!tpu.dma_semaphore, #tpu.memory_space<semaphore_mem>>)
    %dma_wait3A_307 = tpu.memref_slice %arg2[%multiple_of3A_76] : memref<1048576xf32, #tpu.memory_space<hbm>> -> memref<7776xf32, #tpu.memory_space<hbm>>
    %dma_wait3A_308 = tpu.memref_slice %arg2[%multiple_of3A_76] : memref<1048576xf32, #tpu.memory_space<hbm>> -> memref<7776xf32, #tpu.memory_space<hbm>>
    tpu.wait_dma2 semaphore(%arg13 : memref<!tpu.dma_semaphore, #tpu.memory_space<semaphore_mem>>) src(%dma_wait3A_308 : memref<7776xf32, #tpu.memory_space<hbm>>) dst(%arg7 : memref<7776xf32, #tpu.memory_space<vmem>>)
    %dma_start3A_309 = tpu.memref_slice %arg3[%multiple_of3A_76] : memref<1048576xf32, #tpu.memory_space<hbm>> -> memref<7776xf32, #tpu.memory_space<hbm>>
    %dma_start3A_310 = tpu.memref_slice %arg3[%multiple_of3A_76] : memref<1048576xf32, #tpu.memory_space<hbm>> -> memref<7776xf32, #tpu.memory_space<hbm>>
    tpu.enqueue_dma source(%arg7 : memref<7776xf32, #tpu.memory_space<vmem>>) target(%dma_start3A_310 : memref<7776xf32, #tpu.memory_space<hbm>>) target_semaphore(%arg13 : memref<!tpu.dma_semaphore, #tpu.memory_space<semaphore_mem>>)
    %dma_wait3A_311 = arith.constant 0 : i32
    %dma_wait3A_312 = tpu.memref_slice %arg4[%dma_wait3A_311] : memref<12512xf32, #tpu.memory_space<vmem>> -> memref<6256xf32, #tpu.memory_space<vmem>>
    %dma_wait3A_313 = tpu.memref_slice %arg3[%multiple_of3A_49] : memref<1048576xf32, #tpu.memory_space<hbm>> -> memref<6256xf32, #tpu.memory_space<hbm>>
    %dma_wait3A_314 = tpu.memref_slice %arg3[%multiple_of3A_49] : memref<1048576xf32, #tpu.memory_space<hbm>> -> memref<6256xf32, #tpu.memory_space<hbm>>
    %dma_wait3A_315 = arith.constant 0 : i32
    %dma_wait3A_316 = tpu.memref_slice %arg4[%dma_wait3A_315] : memref<12512xf32, #tpu.memory_space<vmem>> -> memref<6256xf32, #tpu.memory_space<vmem>>
    tpu.wait_dma2 semaphore(%arg9 : memref<!tpu.dma_semaphore, #tpu.memory_space<semaphore_mem>>) src(%dma_wait3A_316 : memref<6256xf32, #tpu.memory_space<vmem>>) dst(%dma_wait3A_314 : memref<6256xf32, #tpu.memory_space<hbm>>)
    %dma_wait3A_317 = arith.constant 6256 : i32
    %dma_wait3A_318 = tpu.memref_slice %arg4[%dma_wait3A_317] : memref<12512xf32, #tpu.memory_space<vmem>> -> memref<6256xf32, #tpu.memory_space<vmem>>
    %dma_wait3A_319 = tpu.memref_slice %arg3[%add3A_300] : memref<1048576xf32, #tpu.memory_space<hbm>> -> memref<6256xf32, #tpu.memory_space<hbm>>
    %dma_wait3A_320 = tpu.memref_slice %arg3[%add3A_300] : memref<1048576xf32, #tpu.memory_space<hbm>> -> memref<6256xf32, #tpu.memory_space<hbm>>
    %dma_wait3A_321 = arith.constant 6256 : i32
    %dma_wait3A_322 = tpu.memref_slice %arg4[%dma_wait3A_321] : memref<12512xf32, #tpu.memory_space<vmem>> -> memref<6256xf32, #tpu.memory_space<vmem>>
    tpu.wait_dma2 semaphore(%arg10 : memref<!tpu.dma_semaphore, #tpu.memory_space<semaphore_mem>>) src(%dma_wait3A_322 : memref<6256xf32, #tpu.memory_space<vmem>>) dst(%dma_wait3A_320 : memref<6256xf32, #tpu.memory_space<hbm>>)
    %dma_wait3A_323 = tpu.memref_slice %arg3[%multiple_of3A_151] : memref<1048576xf32, #tpu.memory_space<hbm>> -> memref<4688xf32, #tpu.memory_space<hbm>>
    %dma_wait3A_324 = tpu.memref_slice %arg3[%multiple_of3A_151] : memref<1048576xf32, #tpu.memory_space<hbm>> -> memref<4688xf32, #tpu.memory_space<hbm>>
    tpu.wait_dma2 semaphore(%arg11 : memref<!tpu.dma_semaphore, #tpu.memory_space<semaphore_mem>>) src(%arg5 : memref<4688xf32, #tpu.memory_space<vmem>>) dst(%dma_wait3A_324 : memref<4688xf32, #tpu.memory_space<hbm>>)
    %dma_wait3A_325 = tpu.memref_slice %arg3[%multiple_of3A] : memref<1048576xf32, #tpu.memory_space<hbm>> -> memref<7824xf32, #tpu.memory_space<hbm>>
    %dma_wait3A_326 = tpu.memref_slice %arg3[%multiple_of3A] : memref<1048576xf32, #tpu.memory_space<hbm>> -> memref<7824xf32, #tpu.memory_space<hbm>>
    tpu.wait_dma2 semaphore(%arg12 : memref<!tpu.dma_semaphore, #tpu.memory_space<semaphore_mem>>) src(%arg6 : memref<7824xf32, #tpu.memory_space<vmem>>) dst(%dma_wait3A_326 : memref<7824xf32, #tpu.memory_space<hbm>>)
    %dma_wait3A_327 = tpu.memref_slice %arg3[%multiple_of3A_76] : memref<1048576xf32, #tpu.memory_space<hbm>> -> memref<7776xf32, #tpu.memory_space<hbm>>
    %dma_wait3A_328 = tpu.memref_slice %arg3[%multiple_of3A_76] : memref<1048576xf32, #tpu.memory_space<hbm>> -> memref<7776xf32, #tpu.memory_space<hbm>>
    tpu.wait_dma2 semaphore(%arg13 : memref<!tpu.dma_semaphore, #tpu.memory_space<semaphore_mem>>) src(%arg7 : memref<7776xf32, #tpu.memory_space<vmem>>) dst(%dma_wait3A_328 : memref<7776xf32, #tpu.memory_space<hbm>>)
    return
  }
}

</mosaic_0001>

<sc_bundles>
// kernel: kernel.3.cloned.1.call-start
scs
__scs_entry_jumppad:
0x0: {  	(pc) =	sbr.rel $0x88, $3  }
0x1: {  	(tag) =	ssettag $0x0;
	lr =	simm.s32 $0x1  }
0x2: {  	[smem:$0x3FA0] =	sst lr;
	_ =	strace $0xD0000000  }
0x3: {  	_ = 	snop  }
0x4: {  	_ = 	snop  }
0x5: {  	_ = 	snop  }
0x6: {  	_ = 	snop  }
0x7: {  	_ = 	snop  }
__scs_overlays_trampoline_lowered:
0x8: {  	[smem:$0x3FAF] =	sst s0  }
0x9: {  	[smem:$0x3FB0] =	sst s1  }
0xa: {  	[smem:$0x3FB1] =	sst s2  }
0xb: {  	[smem:$0x3FB2] =	sst s3  }
0xc: {  	[smem:$0x3FB3] =	sst s4  }
0xd: {  	[smem:$0x3FB4] =	sst s5  }
0xe: {  	[smem:$0x3FB5] =	sst s6  }
0xf: {  	[smem:$0x3FB6] =	sst s7  }
0x10: {  	[smem:$0x3FB7] =	sst s8  }
0x11: {  	[smem:$0x3FB8] =	sst s9;
	s0 =	simm.s32 @!p0 $0x0  }
0x12: {  	s1 =	sld [smem:$0x3F9E];
	s0 =	simm.s32 @p0 $0x1  }
0x13: {  	[smem:$0x3FB9] =	sst s0;
	s0 =	simm.s32 @!p1 $0x0  }
0x14: {  	s2 =	sld [smem:$0x3F9D];
	s0 =	simm.s32 @p1 $0x1  }
0x15: {  	[smem:$0x3FBA] =	sst s0;
	s0 =	simm.s32 @!p2 $0x0  }
0x16: {  	s3 =	sld [smem:$0x3FDB];
	s0 =	simm.s32 @p2 $0x1  }
0x17: {  	s4 =	simm.s32 $0x1BF5;
	[smem:$0x3FBC] =	sst s0  }
0x18: {  	s0 =	sld [smem:$0x3F9F];
	_ =	swait.ge [sflag:s4], $0x0  }
0x19: {  	s7 =	sld [smem:$0x3FA0]  }
0x1a: {  	s8 =	sadd.s32 $0xFFFFE003, lr  }
0x1b: {  	s9 =	sadd.s32 $0xFFFFFEF7, lr;
	s5 =	simm.s32 $0xFFFFFFFF;
	p2 =	slt.u32 s8, $0xFFFFF086  }
0x1c: {  	p1 =	slt.u32 s9, $0xF7A;
	s5 =	simm.s32 @!p2 $0x0  }
0x1d: {  	s5 =	simm.s32 @p1 $0x1;
	p0 =	seq.s32 s7, s2  }
0x1e: {  	s7 =	smul.u32 @!p0 $0xF7A, s2;
	p2 =	seq.s32 @!p0 s5, $0x0  }
0x1f: {  	s9 =	smul.u32 $0xF7A, s1;
	s8 =	simm.s32 @!p0 $0x1BF5;
	p2 =	por !p2, p0  }
0x20: {  	[sflag:s8] =	ssyncset.s32 @!p0 $0xFFFFF086;
	s6 =	sadd.s32 @!p0 s3, s7;
	s7 =	simm.s32 @!p0 $0x108  }
0x21: {  	s3 =	sadd.s32 s3, s9;
	s6 =	sadd.s32 @!p0 $0x88, s6;
	s7 =	simm.s32 @p2 $0x1082  }
0x22: {  	[simem:s7], [sflag:s8] =	dma.local @!p0 [hbm:s6], $0xF7A  }
0x23: {  	s9 =	sor.u32 $0xD0000000, s2;
	s6 =	simm.s32 $0x108;
	_ =	swait.ge @!p0 [sflag:s8], $0x0  }
0x24: {  	s3 =	sadd.s32 $0x88, s3;
	s6 =	simm.s32 @!p1 $0x1082;
	[sflag:s4] =	ssyncset.s32 $0xFFFFF086  }
0x25: {  	[simem:s6], [sflag:s4] =	dma.local [hbm:s3], $0xF7A  }
0x26: {  	[smem:$0x3FA0] =	sst s1;
	(tag) =	ssettag s2;
	_ =	strace s9  }
0x27: {  	s1 =	sld [smem:$0x3FB0]  }
0x28: {  	s2 =	sld [smem:$0x3FB1]  }
0x29: {  	s4 =	sld [smem:$0x3FB3]  }
0x2a: {  	p0 =	seq.s32 s5, $0x0;
	s5 =	sld [smem:$0x3FB4]  }
0x2b: {  	s6 =	sld [smem:$0x3FB5]  }
0x2c: {  	s7 =	sld [smem:$0x3FB6]  }
0x2d: {  	s3 =	simm.s32 $0x108;
	s8 =	sld [smem:$0x3FB7]  }
0x2e: {  	s3 =	simm.s32 @!p0 $0x1082;
	s9 =	sld [smem:$0x3FB8]  }
0x2f: {  	lr =	sadd.s32 s0, s3;
	s0 =	sld [smem:$0x3FAF]  }
0x30: {  	s3 =	sld [smem:$0x3FB2]  }
0x31: {  	[smem:$0x3FBB] =	sst s10  }
0x32: {  	s10 =	sld [smem:$0x3FB9];
	_ =	sdelay $0x3  }
0x33: {  	p0 =	seq.s32 s10, $0x1;
	s10 =	sld [smem:$0x3FBB];
	_ =	sdelay $0x3  }
0x34: {  	[smem:$0x3FBB] =	sst s10  }
0x35: {  	s10 =	sld [smem:$0x3FBA];
	_ =	sdelay $0x3  }
0x36: {  	p1 =	seq.s32 s10, $0x1;
	s10 =	sld [smem:$0x3FBB];
	_ =	sdelay $0x3  }
0x37: {  	[smem:$0x3FBB] =	sst s10  }
0x38: {  	s10 =	sld [smem:$0x3FBC]  }
0x39: {  	_ = 	snop;
	(pc) =	sbr.ind lr, $3  }
0x3a: {  	_ = 	snop  }
0x3b: {  	_ = 	snop  }
0x3c: {  	p2 =	seq.s32 s10, $0x1;
	s10 =	sld [smem:$0x3FBB]  }
0x3d: {  	_ =	shalt  }
0x3e: {  	_ =	shalt  }
0x3f: {  	_ =	shalt  }
0x40: {  	_ =	shalt  }
0x41: {  	_ =	shalt  }
0x42: {  	_ =	shalt  }
0x43: {  	_ =	shalt  }
0x44: {  	_ =	shalt  }
0x45: {  	_ =	shalt  }
0x46: {  	_ =	shalt  }
0x47: {  	_ =	shalt  }
0x48: {  	_ =	shalt  }
0x49: {  	_ =	shalt  }
0x4a: {  	_ =	shalt  }
0x4b: {  	_ =	shalt  }
0x4c: {  	_ =	shalt  }
0x4d: {  	_ =	shalt  }
0x4e: {  	_ =	shalt  }
0x4f: {  	_ =	shalt  }
0x50: {  	_ =	shalt  }
0x51: {  	_ =	shalt  }
0x52: {  	_ =	shalt  }
0x53: {  	_ =	shalt  }
0x54: {  	_ =	shalt  }
0x55: {  	_ =	shalt  }
0x56: {  	_ =	shalt  }
0x57: {  	_ =	shalt  }
0x58: {  	_ =	shalt  }
0x59: {  	_ =	shalt  }
0x5a: {  	_ =	shalt  }
0x5b: {  	_ =	shalt  }
0x5c: {  	_ =	shalt  }
0x5d: {  	_ =	shalt  }
0x5e: {  	_ =	shalt  }
0x5f: {  	_ =	shalt  }
0x60: {  	_ =	shalt  }
0x61: {  	_ =	shalt  }
0x62: {  	_ =	shalt  }
0x63: {  	_ =	shalt  }
0x64: {  	_ =	shalt  }
0x65: {  	_ =	shalt  }
0x66: {  	_ =	shalt  }
0x67: {  	_ =	shalt  }
0x68: {  	_ =	shalt  }
0x69: {  	_ =	shalt  }
0x6a: {  	_ =	shalt  }
0x6b: {  	_ =	shalt  }
0x6c: {  	_ =	shalt  }
0x6d: {  	_ =	shalt  }
0x6e: {  	_ =	shalt  }
0x6f: {  	_ =	shalt  }
0x70: {  	_ =	shalt  }
0x71: {  	_ =	shalt  }
0x72: {  	_ =	shalt  }
0x73: {  	_ =	shalt  }
0x74: {  	_ =	shalt  }
0x75: {  	_ =	shalt  }
0x76: {  	_ =	shalt  }
0x77: {  	_ =	shalt  }
0x78: {  	_ =	shalt  }
0x79: {  	_ =	shalt  }
0x7a: {  	_ =	shalt  }
0x7b: {  	_ =	shalt  }
0x7c: {  	_ =	shalt  }
0x7d: {  	_ =	shalt  }
0x7e: {  	_ =	shalt  }
0x7f: {  	_ =	shalt  }
0x80: {  	_ =	shalt  }
0x81: {  	_ =	shalt  }
0x82: {  	_ =	shalt  }
0x83: {  	_ =	shalt  }
0x84: {  	_ =	shalt  }
0x85: {  	_ =	shalt  }
0x86: {  	_ =	shalt  }
0x87: {  	_ =	shalt  }
.Lfunc_end0:
.L_simem_size_0:
called_computation_lowered:
.L_overlay_start_0:
0x88: {  	s2 =	sld [smem:$0x3FD9]  }
0x89: {  	s3 =	sld [smem:$0x3FFE];
	_ =	sdelay $0x1  }
0x8a: {  	s1 =	srdreg.scid  }
0x8b: {  	s0 =	sand.u32 $0x1, s1  }
0x8c: {  	s18 =	sshll.u32 s0, $0xA;
	s2 =	sadd.s32 s3, s2  }
0x8d: {  	s2 =	sadd.s32 s2, s18  }
0x8e: {  	[smem:$0x3FC7] =	sst s2  }
0x8f: {  	_ = 	snop  }
0x90: {  	s2 =	sld [smem:$0x3FC9]  }
0x91: {  	s19 =	sld [smem:$0x3FD0];
	(tm) =	ssettm $0x1  }
0x92: {  	s4 =	sld [smem:$0x3FFB];
	_ =	sdelay $0x3  }
0x93: {  	_ =	strace s4  }
0x94: {  	s4 =	sld [smem:$0x3FFC];
	_ =	sdelay $0x3  }
0x95: {  	_ =	strace s4  }
0x96: {  	s4 =	sld [smem:$0x3FFD];
	_ =	sdelay $0x3  }
0x97: {  	_ =	strace s4  }
0x98: {  	_ =	strace $0x8FFFFFFF  }
0x99: {  	s20 =	sld [smem:$0x3FDB];
	_ =	sdelay $0x1  }
0x9a: {  	s5 =	simm.s32 $_scs_section_size  }
0x9b: {  	s6 =	simm.s32 $_size__tile_overlayer_lowered;
	s7 =	simm.s32 $_tile_overlayer_lowered  }
0x9c: {  	s23 =	simm.s32 $0x1BFF;
	s22 =	sshll.u32 s7, $0x1;
	s4 =	sadd.s32 s5, s20  }
0x9d: {  	s8 =	simm.s32 $0x0;
	s21 =	sshll.u32 s6, $0x1;
	s6 =	sadd.s32 s22, s4  }
0x9e: {  	[timem:s8], [sflag:s23] =	dma.local [hbm:s6], s21  }
0x9f: {  	_ =	swait.ge [sflag:s23], s21  }
0xa0: {  	s5 =	ssub.s32 $0x0, s21;
	[sflag:s23] =	ssyncset.done $0x0  }
0xa1: {  	[sflag:s23] =	ssyncadd.s32 s5;
	_ =	sdelay $0x1  }
0xa2: {  	s24 =	simm.s32 $0x1B8B  }
0xa3: {  	_ =	swait.ge [sflag:s24], $0x1  }
0xa4: {  	[sflag:s24] =	ssyncset.done $0x0  }
0xa5: {  	s25 =	simm.s32 $0x1B8E;
	[sflag:s24] =	ssyncadd.s32 $0xFFFFFFFF  }
0xa6: {  	s26 =	simm.s32 $execute0_lowered;
	[smem:$0x3FD2] =	sst s25  }
0xa7: {  	s5 =	sshll.u32 s26, $0x1;
	_ =	strace $0x80000046;
	[dreg:$0x1] =	wrdreg $0xFFFFFFFF  }
0xa8: {  	s28 =	simm.s32 $_size_execute0_lowered;
	s4 =	sadd.s32 s4, s5;
	[dreg:$0x0] =	wrdreg $0x0  }
0xa9: {  	s5 =	sshll.u32 s28, $0x1;
	[dreg:$0x2] =	wrdreg s4  }
0xaa: {  	[dreg:$0x3] =	wrdreg s5  }
0xab: {  	[dreg:$0x4] =	wrdreg $0xC0  }
0xac: {  	_ =	task [dreg:s8], $0x5FFFF  }
0xad: {  	[dreg:$0x1] =	wrdreg $0xFFFFFFFF  }
0xae: {  	[dreg:$0x0] =	wrdreg $0x60  }
0xaf: {  	[dreg:$0x2] =	wrdreg s2  }
0xb0: {  	[dreg:$0x3] =	wrdreg s19  }
0xb1: {  	[dreg:$0x4] =	wrdreg $0x9  }
0xb2: {  	_ =	task.clear_ibuf [dreg:s8], $0x5FFFF;
	_ =	strace $0x90000046  }
0xb3: {  	s29 =	simm.s32 $0x9;
	_ =	strace $0x80000048  }
0xb4: {  	_ =	swait.ge [sflag:s29], $0x1  }
0xb5: {  	[sflag:s29] =	ssyncadd.s32 $0xFFFFFFFF  }
0xb6: {  	_ =	strace $0x90000048  }
0xb7: {  	_ =	sfence  }
0xb8: {  	s30 =	sld [smem:$0x0];
	_ =	sdelay $0x2  }
0xb9: {  	s31 =	sshll.u32 s1, $0xD;
	s1 =	sshrl.u32 s1, $0x2  }
0xba: {  	s3 =	sand.u32 $0x4000, s31;
	s1 =	sadd.s32 s1, s30  }
0xbb: {  	s0 =	sor.u32 s3, s0;
	s1 =	sshll.u32 s1, $0x11  }
0xbc: {  	s0 =	sor.u32 s1, s0  }
0xbd: {  	s0 =	sadd.s32 $0x8F2B, s0  }
0xbe: {  	[sflag:s0] =	ssyncadd.remote.s32 $0x1  }
0xbf: {  	_ =	sfence.sel $0xFFFF  }
0xc0: {  	[dreg:$0x0] =	wrdreg $0xFFFFFFFF;
	(pc) =	sbr.abs _section_cstart, $3  }
0xc1: {  	[dreg:$0x1] =	wrdreg $0xFFFFFFFF  }
0xc2: {  	_ =	task.clear_ibuf [dreg:s8], $0x2FFFF;
	_ =	strace $0x9FFFFFFF  }
0xc3: {  	(tm) =	ssettm $0x7FFFFFFF  }
tec
execute0_lowered:
.L_overlay_start_1:
0x0: {  	(tag) =	ssettag $0x1  }
0x1: {  	s1 =	rddreg [dreg:$0x0]  }
0x2: {  	s0 =	rddreg [dreg:$0x1];
	s2 =	srdreg.scid  }
0x3: {  	s5 =	stileid.u32;
	s19 =	simm.s32 $0x8120;
	s28 =	simm.s32 $0x1  }
0x4: {  	s29 =	simm.s32 $0x2;
	s3 =	sand.u32 $0x1, s2;
	s5 =	sshll.u32 s5, $0x1  }
0x5: {  	v0 =	vimm.f32 $1.500000000e+01;
	vm0 =	vcmask $0x300;
	s31 =	simm.s32 $0x3;
	s2 =	simm.s32 $0x0;
	s7 =	sor.u32 s3, s5  }
0x6: {  	vm14 =	vcmask $0x704;
	v0 =	vsel vm0, $0x0, v0;
	s4 =	ssub.s32 $0x2, s3;
	[smem:$0x7FF] =	sst s2;
	s20 =	smul.u32 $0x1E9, s7  }
0x7: {  	vm15 =	vcmask $0xB08;
	s3 =	sadd.s32 $0x7A12, s1;
	v0 =	vsel vm14, $0x3F800000, v0;
	s5 =	sadd.s32 $0x13D60, s1;
	s8 =	smul.u32 $0x30E, s7  }
0x8: {  	vm4 =	vcmask $0xF0C;
	s6 =	sshrl.u32 s4, $0x1;
	_ =	strace $0x80000047;
	s9 =	smul.u32 $0x1E6, s7;
	v0 =	vsel vm15, $0x40000000, v0  }
0x9: {  	vm5 =	vcmask $0x1310;
	s10 =	smul.u32 $0x125, s7;
	s16 =	ssub.s32 s4, s6;
	s4 =	sadd.s32 $0xC350, s1;
	v0 =	vsel vm4, $0x40400000, v0  }
0xa: {  	vm6 =	vcmask $0x1714;
	s6 =	smin.u32 s20, $0x3B20;
	s8 =	smin.u32 s8, $0x5E9A;
	v0 =	vsel vm5, $0x40800000, v0;
	s21 =	smin.u32 s9, $0x3ACA  }
0xb: {  	vm7 =	vcmask $0x1B18;
	s22 =	smin.u32 s10, $0x237A;
	s16 =	smax.u32 s16, $0x1;
	s20 =	simm.s32 $0x8130;
	v0 =	vsel vm6, $0x40A00000, v0  }
0xc: {  	vm8 =	vcmask $0x1F1C;
	s12 =	sshll.u32 s6, $0x1;
	s6 =	sadd.s32 $0x1869E, s1;
	s13 =	sshll.u32 s8, $0x4;
	v0 =	vsel vm7, $0x40C00000, v0  }
0xd: {  	vm9 =	vcmask $0x2320;
	s11 =	sshll.u32 s21, $0x1;
	s15 =	sshll.u32 s22, $0x4;
	s21 =	simm.s32 $0x4380;
	v0 =	vsel vm8, $0x40E00000, v0  }
0xe: {  	vm10 =	vcmask $0x2724;
	s22 =	simm.s32 $0x1870;
	s7 =	sadd.s32 s1, s12;
	s14 =	sshrl.u32 s13, $0x3;
	v0 =	vsel vm9, $0x41000000, v0  }
0xf: {  	vm11 =	vcmask $0x2B28;
	s17 =	sadd.s32 $0x186A0, s11;
	s24 =	sshrl.u32 s15, $0x3;
	s18 =	scvt.s32.f32 s15;
	v0 =	vsel vm10, $0x41100000, v0  }
0x10: {  	vm12 =	vcmask $0x2F2C;
	s30 =	scvt.s32.f32 s13;
	s12 =	sadd.s32 s0, s12;
	s23 =	sadd.s32 s1, s14;
	v0 =	vsel vm11, $0x41200000, v0  }
0x11: {  	vm13 =	vcmask $0x3330;
	s10 =	sadd.s32 s1, s17;
	s25 =	sadd.s32 s0, s24;
	s26 =	sadd.s32 s0, s14;
	v0 =	vsel vm12, $0x41300000, v0  }
0x12: {  	vm14 =	vcmask $0x3734;
	s15 =	sadd.s32 s0, s17;
	s24 =	simm.s32 $0x6;
	s0 =	simm.s32 $0x0;
	v0 =	vsel vm13, $0x41400000, v0  }
0x13: {  	vm15 =	vcmask $0x3B38;
	s8 =	sadd.s32 $0xC350, s23;
	s9 =	sadd.s32 $0xC65E, s23;
	s11 =	sadd.s32 $0x13D62, s25;
	v0 =	vsel vm14, $0x41500000, v0  }
0x14: {  	v2 =	vimm.s32 $0x0;
	s13 =	sadd.s32 $0x7A12, s26;
	s14 =	sadd.s32 $0x7D20, s26;
	s23 =	simm.s32 $0x6280;
	v1 =	vsel vm15, $0x41600000, v0  }
0x15: {  	v3 =	vimm.s32 $0xF;
	s25 =	simm.s32 $0x3100;
	s26 =	simm.s32 $0x4;
	v0 =	vadd.f32 s18, v1;
	v1 =	vadd.f32 s30, v1;
	s30 =	simm.s32 $0x5  }
.LBB2_1:
0x16: {  	s1 =	simm.s32 $0x8100  }
0x17: {  	[tilespmem:s1], [sflag:$0x6] =	stream.linear.gather [hbm4b:s3+s2], $0x10, $0x38;
	[tilespmem:$0x8180] =	vst v63  }
0x18: {  	s18 =	simm.s32 $0x8110  }
0x19: {  	[tilespmem:s18], [sflag:$0x6] =	stream.linear.gather [hbm4b:s4+s2], $0x10, $0x38;
	[tilespmem:$0x8180] =	vst v63  }
0x1a: {  	_ = 	snop  }
0x1b: {  	[tilespmem:s19], [sflag:$0x6] =	stream.linear.gather [hbm4b:s5+s2], $0x10, $0x38;
	[tilespmem:$0x8180] =	vst v63  }
0x1c: {  	_ = 	snop  }
0x1d: {  	[tilespmem:s20], [sflag:$0x6] =	stream.linear.gather [hbm4b:s6+s2], $0x10, $0x38;
	[tilespmem:$0x8180] =	vst v63  }
0x1e: {  	_ = 	snop  }
0x1f: {  	[tilespmem:s21], [sflag:$0x4] =	stream.linear.gather [hbm4b:s7+s2], $0x1E90, $0x38;
	[tilespmem:$0x8180] =	vst v63  }
0x20: {  	_ = 	snop  }
0x21: {  	[tilespmem:s2], [sflag:$0x1] =	stream.linear.gather [hbm4b:s8+s2], $0x1870, $0x38;
	[tilespmem:$0x8180] =	vst v63  }
0x22: {  	_ = 	snop  }
0x23: {  	[tilespmem:s22], [sflag:$0x2] =	stream.linear.gather [hbm4b:s9+s2], $0x1870, $0x38;
	[tilespmem:$0x8180] =	vst v63  }
0x24: {  	_ = 	snop  }
0x25: {  	[tilespmem:s23], [sflag:$0x5] =	stream.linear.gather [hbm4b:s10+s2], $0x1E60, $0x38;
	[tilespmem:$0x8180] =	vst v63  }
0x26: {  	_ =	swait.ge [sflag:s24], $0x10  }
0x27: {  	[sflag:s24] =	ssyncset.done $0x0  }
0x28: {  	[sflag:s24] =	ssyncadd.s32 $0xFFFFFFF0  }
0x29: {  	_ =	swait.ge [sflag:s24], $0x10  }
0x2a: {  	[sflag:s24] =	ssyncset.done $0x0  }
0x2b: {  	[sflag:s24] =	ssyncadd.s32 $0xFFFFFFF0  }
0x2c: {  	_ =	swait.ge [sflag:s24], $0x10  }
0x2d: {  	[sflag:s24] =	ssyncset.done $0x0  }
0x2e: {  	[sflag:s24] =	ssyncadd.s32 $0xFFFFFFF0  }
0x2f: {  	_ =	swait.ge [sflag:s24], $0x10  }
0x30: {  	[sflag:s24] =	ssyncset.done $0x0  }
0x31: {  	[sflag:s24] =	ssyncadd.s32 $0xFFFFFFF0  }
0x32: {  	v4 =	vld [tilespmem:$0x8120]  }
0x33: {  	v5 =	vld [tilespmem:$0x8130];
	_ =	sdelay $0x4  }
0x34: {  	v6 =	vperm.xlane v4, v3;
	v4 =	vperm.xlane v5, v3;
	_ =	sdelay $0x1  }
0x35: {  	v4 =	vsub.f32 v4, v6;
	_ =	sdelay $0x1  }
0x36: {  	v5 =	vmul.f32 $6.666711210e-06, v4;
	_ =	sdelay $0x1  }
0x37: {  	v7 =	vmul.f32 v5, v0;
	_ =	sdelay $0x1  }
0x38: {  	v8 =	vld [tilespmem:$0x8100];
	v5 =	vmul.f32 $1.600000000e+01, v5;
	v6 =	vadd.f32 v7, v6  }
0x39: {  	v7 =	vld [tilespmem:$0x8110]  }
0x3a: {  	v9 =	vadd.f32 v6, v5  }
0x3b: {  	s1 =	simm.s32 $0x3120  }
0x3c: {  	[tilespmem:s1+$0xFFFFFFE0] =	vst v6;
	v10 =	vadd.f32 v9, v5  }
0x3d: {  	[tilespmem:s1+$0xFFFFFFF0] =	vst v9  }
0x3e: {  	s17 =	simm.s32 $0x0;
	v6 =	vperm.xlane v8, v2;
	v7 =	vperm.xlane v7, v2;
	[tilespmem:s1+$0x0] =	vst v10;
	v8 =	vadd.f32 v10, v5  }
.LBB2_2:
0x3f: {  	_ = 	snop  }
0x40: {  	s17 =	sadd.s32 $0x4, s17;
	[tilespmem:s1+$0x10] =	vst v8;
	v8 =	vadd.f32 v8, v5;
	s1 =	sadd.s32 $0x40, s1  }
0x41: {  	p0 =	slt.u32 s17, $0x120  }
.Ltmp0:
0x42: {  	[tilespmem:s1+$0xFFFFFFE0] =	vst v8;
	v8 =	vadd.f32 v8, v5;
	(pc) =	sbr.rel @p0 .LBB2_2-.Ltmp0, $3  }
0x43: {  	_ = 	snop  }
0x44: {  	[tilespmem:s1+$0xFFFFFFF0] =	vst v8;
	v8 =	vadd.f32 v8, v5;
	_ =	sdelay $0x1  }
0x45: {  	[tilespmem:s1+$0x0] =	vst v8;
	v8 =	vadd.f32 v8, v5  }
0x46: {  	_ = 	snop  }
0x47: {  	v5 =	vadd.f32 v8, v5  }
0x48: {  	[tilespmem:s1+$0x10] =	vst v8  }
0x49: {  	[tilespmem:$0x4340] =	vst v5  }
0x4a: {  	[hbm4b:s11+s2] =	stream.linear.scatter [tilespmem:s25], [sflag:$0x3], $0x1250, $0x38;
	[tilespmem:$0x8180] =	vst v63  }
0x4b: {  	_ =	swait.ge [sflag:s26], $0x1E90  }
0x4c: {  	[sflag:s26] =	ssyncset.done $0x0  }
0x4d: {  	v5 =	vsub.f32 v7, v6;
	[sflag:s26] =	ssyncadd.s32 $0xFFFFE170  }
0x4e: {  	[hbm4b:s12+s2] =	stream.linear.scatter [tilespmem:s21], [sflag:$0x4], $0x1E90, $0x38;
	[tilespmem:$0x8180] =	vst v63  }
0x4f: {  	v4 =	vsub.f32 v4, v5;
	_ =	swait.ge [sflag:s28], $0x1870  }
0x50: {  	[sflag:s28] =	ssyncset.done $0x0  }
0x51: {  	s1 =	simm.s32 $0x20;
	v4 =	vmul.f32 $2.500006300e-06, v4;
	[sflag:s28] =	ssyncadd.s32 $0xFFFFE790  }
0x52: {  	v6 =	vld [tilespmem:s1+$0xFFFFFFE0]  }
0x53: {  	v7 =	vmul.f32 v4, v1  }
0x54: {  	v8 =	vld [tilespmem:s1+$0xFFFFFFF0]  }
0x55: {  	v4 =	vmul.f32 $1.600000000e+01, v4;
	v7 =	vadd.f32 v7, v5  }
0x56: {  	v5 =	vld [tilespmem:s1+$0x0]  }
0x57: {  	v10 =	vadd.f32 v7, v4;
	v9 =	vsub.f32 v6, v7  }
0x58: {  	v6 =	vld [tilespmem:s1+$0x10]  }
0x59: {  	s17 =	simm.s32 $0x0;
	s18 =	simm.s32 $0x60;
	v7 =	vsub.f32 v8, v10;
	v8 =	vadd.f32 v10, v4;
	[tilespmem:s1+$0xFFFFFFE0] =	vst v9  }
.LBB2_4:
0x5a: {  	v9 =	vld [tilespmem:s18+$0xFFFFFFE0]  }
0x5b: {  	s17 =	sadd.s32 $0x4, s17;
	v10 =	vld [tilespmem:s18+$0xFFFFFFF0];
	[tilespmem:s1+$0xFFFFFFF0] =	vst v7;
	v5 =	vsub.f32 v5, v8;
	v7 =	vadd.f32 v8, v4  }
0x5c: {  	p0 =	slt.u32 s17, $0x180  }
.Ltmp1:
0x5d: {  	[tilespmem:s1+$0x0] =	vst v5;
	v6 =	vsub.f32 v6, v7;
	v7 =	vadd.f32 v7, v4;
	(pc) =	sbr.rel @p0 .LBB2_4-.Ltmp1, $4  }
0x5e: {  	v5 =	vld [tilespmem:s18+$0x0]  }
0x5f: {  	v8 =	vsub.f32 v9, v7;
	v9 =	vadd.f32 v7, v4;
	[tilespmem:s1+$0x10] =	vst v6;
	s1 =	smov.u32 s18  }
0x60: {  	v6 =	vld [tilespmem:s18+$0x10]  }
0x61: {  	s18 =	sadd.s32 $0x40, s18;
	[tilespmem:s1+$0xFFFFFFE0] =	vst v8;
	v7 =	vsub.f32 v10, v9;
	v8 =	vadd.f32 v9, v4  }
0x62: {  	_ = 	snop  }
0x63: {  	v9 =	vadd.f32 v8, v4  }
0x64: {  	v5 =	vsub.f32 v5, v8  }
0x65: {  	[tilespmem:s1+$0xFFFFFFF0] =	vst v7;
	v6 =	vsub.f32 v6, v9  }
0x66: {  	[tilespmem:s1+$0x0] =	vst v5  }
0x67: {  	[tilespmem:s1+$0x10] =	vst v6  }
0x68: {  	v5 =	vld [tilespmem:$0x1840]  }
0x69: {  	v6 =	vadd.f32 v9, v4;
	v7 =	vld [tilespmem:$0x1850]  }
0x6a: {  	v8 =	vld [tilespmem:$0x1860]  }
0x6b: {  	v9 =	vadd.f32 v6, v4;
	_ =	sdelay $0x1  }
0x6c: {  	v5 =	vsub.f32 v5, v6;
	v6 =	vadd.f32 v9, v4  }
0x6d: {  	v7 =	vsub.f32 v7, v9  }
0x6e: {  	[tilespmem:$0x1840] =	vst v5;
	v5 =	vsub.f32 v8, v6  }
0x6f: {  	[tilespmem:$0x1850] =	vst v7  }
0x70: {  	[tilespmem:$0x1860] =	vst v5  }
0x71: {  	[hbm4b:s13+s2] =	stream.linear.scatter [tilespmem:s2], [sflag:$0x1], $0x1870, $0x38;
	[tilespmem:$0x8180] =	vst v63  }
0x72: {  	_ =	swait.ge [sflag:s29], $0x1870  }
0x73: {  	[sflag:s29] =	ssyncset.done $0x0  }
0x74: {  	s1 =	simm.s32 $0x18A0;
	[sflag:s29] =	ssyncadd.s32 $0xFFFFE790  }
0x75: {  	v7 =	vld [tilespmem:s1+$0xFFFFFFD0];
	_ =	sdelay $0x1  }
0x76: {  	v8 =	vld [tilespmem:s1+$0xFFFFFFE0]  }
0x77: {  	v6 =	vadd.f32 v6, v4  }
0x78: {  	v5 =	vld [tilespmem:s1+$0xFFFFFFF0]  }
0x79: {  	v9 =	vadd.f32 v6, v4;
	v7 =	vsub.f32 v7, v6  }
0x7a: {  	v6 =	vld [tilespmem:s1+$0x0]  }
0x7b: {  	s17 =	simm.s32 $0x187;
	s18 =	simm.s32 $0x18E0;
	[tilespmem:s1+$0xFFFFFFD0] =	vst v7;
	v7 =	vsub.f32 v8, v9;
	v8 =	vadd.f32 v9, v4  }
.LBB2_6:
0x7c: {  	v9 =	vld [tilespmem:s18+$0xFFFFFFD0]  }
0x7d: {  	s17 =	sadd.s32 $0x4, s17;
	[tilespmem:s1+$0xFFFFFFE0] =	vst v7;
	v7 =	vsub.f32 v5, v8;
	v5 =	vld [tilespmem:s18+$0xFFFFFFF0];
	v8 =	vadd.f32 v8, v4  }
0x7e: {  	p0 =	slt.u32 s17, $0x307;
	v10 =	vld [tilespmem:s18+$0xFFFFFFE0]  }
.Ltmp2:
0x7f: {  	[tilespmem:s1+$0xFFFFFFF0] =	vst v7;
	v6 =	vsub.f32 v6, v8;
	v7 =	vadd.f32 v8, v4;
	(pc) =	sbr.rel @p0 .LBB2_6-.Ltmp2, $4  }
0x80: {  	_ = 	snop  }
0x81: {  	v8 =	vsub.f32 v9, v7;
	v9 =	vadd.f32 v7, v4;
	[tilespmem:s1+$0x0] =	vst v6;
	s1 =	smov.u32 s18  }
0x82: {  	v6 =	vld [tilespmem:s18+$0x0]  }
0x83: {  	s18 =	sadd.s32 $0x40, s18;
	[tilespmem:s1+$0xFFFFFFD0] =	vst v8;
	v7 =	vsub.f32 v10, v9;
	v8 =	vadd.f32 v9, v4  }
0x84: {  	_ = 	snop  }
0x85: {  	v9 =	vadd.f32 v8, v4  }
0x86: {  	v5 =	vsub.f32 v5, v8  }
0x87: {  	[tilespmem:s1+$0xFFFFFFE0] =	vst v7;
	v6 =	vsub.f32 v6, v9  }
0x88: {  	[tilespmem:s1+$0xFFFFFFF0] =	vst v5  }
0x89: {  	[tilespmem:s1+$0x0] =	vst v6  }
0x8a: {  	v5 =	vld [tilespmem:$0x30B0]  }
0x8b: {  	v61 =	vadd.f32 v9, v4;
	v7 =	vld [tilespmem:$0x30C0]  }
0x8c: {  	v62 =	vld [tilespmem:$0x30D0]  }
0x8d: {  	v9 =	vadd.f32 v61, v4;
	_ =	sdelay $0x1  }
0x8e: {  	v4 =	vadd.f32 v9, v4;
	v5 =	vsub.f32 v5, v61  }
0x8f: {  	v63 =	vsub.f32 v7, v9  }
0x90: {  	v4 =	vsub.f32 v62, v4;
	[tilespmem:$0x30B0] =	vst v5  }
0x91: {  	[tilespmem:$0x30C0] =	vst v63  }
0x92: {  	[tilespmem:$0x30D0] =	vst v4  }
0x93: {  	[hbm4b:s14+s2] =	stream.linear.scatter [tilespmem:s22], [sflag:$0x2], $0x1870, $0x38;
	[tilespmem:$0x8180] =	vst v63  }
0x94: {  	_ =	swait.ge [sflag:s30], $0x1E60  }
0x95: {  	[sflag:s30] =	ssyncset.done $0x0  }
0x96: {  	[sflag:s30] =	ssyncadd.s32 $0xFFFFE1A0  }
0x97: {  	[hbm4b:s15+s2] =	stream.linear.scatter [tilespmem:s23], [sflag:$0x5], $0x1E60, $0x38;
	[tilespmem:$0x8180] =	vst v63  }
0x98: {  	_ =	swait.ge [sflag:s28], $0x1870  }
0x99: {  	[sflag:s28] =	ssyncset.done $0x0  }
0x9a: {  	[sflag:s28] =	ssyncadd.s32 $0xFFFFE790  }
0x9b: {  	_ =	swait.ge [sflag:s29], $0x1870  }
0x9c: {  	[sflag:s29] =	ssyncset.done $0x0  }
0x9d: {  	[sflag:s29] =	ssyncadd.s32 $0xFFFFE790  }
0x9e: {  	_ =	swait.ge [sflag:s31], $0x1250  }
0x9f: {  	[sflag:s31] =	ssyncset.done $0x0  }
0xa0: {  	s0 =	sadd.s32 $0x1, s0;
	[sflag:s31] =	ssyncadd.s32 $0xFFFFEDB0  }
0xa1: {  	p0 =	sne.s32 s0, s16;
	_ =	swait.ge [sflag:s26], $0x1E90  }
.Ltmp3:
0xa2: {  	[sflag:s26] =	ssyncset.done $0x0;
	(pc) =	sbr.rel @p0 .LBB2_1-.Ltmp3, $4  }
0xa3: {  	[sflag:s26] =	ssyncadd.s32 $0xFFFFE170  }
0xa4: {  	_ =	swait.ge [sflag:s30], $0x1E60  }
0xa5: {  	[sflag:s30] =	ssyncset.done $0x0  }
0xa6: {  	[sflag:s30] =	ssyncadd.s32 $0xFFFFE1A0  }
0xa7: {  	_ =	sfence.sel $0x180000  }
0xa8: {  	[bflag:$0x0] =	sbarrier.arrive $0xFFFF  }
0xa9: {  	_ =	strace $0x90000047  }
0xaa: {  	s0 =	stileid.u32;
	[bflag:$0x2] =	sbarrier.arrive $0xFFFF  }
0xab: {  	p0 =	sne.s32 s0, $0x0;
	s0 =	rddreg [dreg:$0x2]  }
0xac: {  	s0 =	sadd.s32 @!p0 $0x100000, s0  }
0xad: {  	[sflag:s0] =	ssyncadd.tile.s32 @!p0 $0x1;
	_ =	shalt  }
.Lfunc_end2:
_tile_overlayer_lowered:
.L_overlay_start_2:
0xae: {  	(tag) =	ssettag $0x2  }
0xaf: {  	s0 =	rddreg [dreg:$0x0];
	s2 =	stileid.u32  }
0xb0: {  	s1 =	rddreg [dreg:$0x1];
	p0 =	sne.s32 s2, $0x0  }
0xb1: {  	s3 =	rddreg [dreg:$0x2];
	[bflag:$0x3] =	sbarrier.arrive $0xFFFF;
	s2 =	simm.s32 @!p0 $0x1C07  }
0xb2: {  	[timem:s3], [sflag:s2] =	dma.local @!p0 [hbm:s0], s1  }
0xb3: {  	s0 =	simm.s32 @!p0 $0x7  }
0xb4: {  	_ =	swait.ge @!p0 [sflag:s0], s1  }
0xb5: {  	s1 =	ssub.s32 @!p0 $0x0, s1;
	[sflag:s0] =	ssyncset.done @!p0 $0x0  }
0xb6: {  	[sflag:s0] =	ssyncadd.s32 @!p0 s1  }
0xb7: {  	[bflag:$0x3] =	sbarrier.arrive $0xFFFF  }
0xb8: {  	_ =	shalt  }

</sc_bundles>
